<compile_context>
chip_gen: v7x
topology: tpu7x:2x2x1
jax: 0.10.2.dev20260603
libtpu: 0.0.44.dev20260713+nightly
codegen_flags: <defaults>
</compile_context>

<pallas_src>
import functools

import jax
import jax.numpy as jnp
from jax import lax
from jax.experimental import pallas as pl
from jax.experimental.pallas import tpu as pltpu
from jax.experimental.pallas import tpu_sc as plsc

N = 50000
E = 800000
IN_DIM = 9
EDGE_DIM = 3
HID = 64
OUT_DIM = 128
NUM_GRAPHS = 512
EPS_BN = 1e-5

NC = 2
NS = 16
CHUNK = 128
EDGES_PER_TILE = 50176
E_PAD = NS * EDGES_PER_TILE
N_CHUNKS = EDGES_PER_TILE // CHUNK
HALF = N // NC
DUMP = HALF
SP_ROWS = 25088
ZB = 112

BN_ROWS = 2000
NB = N // BN_ROWS
BE_ROWS = 6272
NBE = E_PAD // BE_ROWS


def _aggr_sc_body(h_hbm, e_hbm, src_hbm, dst_hbm, out_hbm,
                  aggr_sp, src_v, dst_v, loc_v, hrows_v, erows_v, zbuf_v, sem):
    c = lax.axis_index("c")
    s = lax.axis_index("s")

    def _zb(j, carry):
        for k in range(HID // 16):
            zbuf_v[j, pl.ds(k * 16, 16)] = jnp.zeros((16,), jnp.float32)
        return carry
    lax.fori_loop(0, ZB, _zb, 0)

    def _zi(i, carry):
        off = pl.multiple_of((s * 14 + i) * ZB, 8)
        pltpu.sync_copy(zbuf_v, aggr_sp.at[pl.ds(off, ZB)])
        return carry
    lax.fori_loop(0, 14, _zi, 0)
    plsc.subcore_barrier()

    lo = c * HALF
    tile_base = s * EDGES_PER_TILE

    def _chunk(i, carry):
        base = pl.multiple_of(tile_base + i * CHUNK, 8)
        pltpu.sync_copy(src_hbm.at[pl.ds(base, CHUNK)], src_v)
        pltpu.sync_copy(dst_hbm.at[pl.ds(base, CHUNK)], dst_v)
        pltpu.async_copy(h_hbm.at[src_v], hrows_v, sem).wait()
        pltpu.sync_copy(e_hbm.at[pl.ds(base, CHUNK)], erows_v)

        def _row(j, rc):
            for k in range(HID // 16):
                hv = hrows_v[j, pl.ds(k * 16, 16)]
                ev = erows_v[j, pl.ds(k * 16, 16)]
                hrows_v[j, pl.ds(k * 16, 16)] = jnp.maximum(hv + ev, 0.0)
            return rc
        lax.fori_loop(0, CHUNK, _row, 0)

        def _idx(v, ic):
            d = dst_v[pl.ds(v * 16, 16)]
            l = d - lo
            ok = (l >= 0) & (l < HALF)
            loc_v[pl.ds(v * 16, 16)] = jnp.where(ok, l, DUMP)
            return ic
        lax.fori_loop(0, CHUNK // 16, _idx, 0)

        pltpu.sync_copy(hrows_v, aggr_sp.at[loc_v], add=True)
        return carry
    lax.fori_loop(0, N_CHUNKS, _chunk, 0)

    plsc.subcore_barrier()

    def _co(k, carry):
        cid = s + k * NS
        @pl.when(cid < HALF // 1000)
        def _():
            off = pl.multiple_of(cid * 1000, 8)
            pltpu.sync_copy(aggr_sp.at[pl.ds(off, 1000)],
                            out_hbm.at[pl.ds(lo + off, 1000)])
        return carry
    lax.fori_loop(0, 2, _co, 0)


_aggr_call = pl.kernel(
    _aggr_sc_body,
    out_type=jax.ShapeDtypeStruct((N, HID), jnp.float32),
    mesh=plsc.VectorSubcoreMesh(core_axis_name="c", subcore_axis_name="s"),
    scratch_types=[
        pltpu.VMEM_SHARED((SP_ROWS, HID), jnp.float32),
        pltpu.VMEM((CHUNK,), jnp.int32),
        pltpu.VMEM((CHUNK,), jnp.int32),
        pltpu.VMEM((CHUNK,), jnp.int32),
        pltpu.VMEM((CHUNK, HID), jnp.float32),
        pltpu.VMEM((CHUNK, HID), jnp.float32),
        pltpu.VMEM((ZB, HID), jnp.float32),
        pltpu.SemaphoreType.DMA,
    ],
    compiler_params=pltpu.CompilerParams(use_tc_tiling_on_sc=False),
)


def _enc_body(x_ref, w_ref, b_ref, o_ref):
    o_ref[...] = (jnp.dot(x_ref[...], w_ref[...],
                          preferred_element_type=jnp.float32) + b_ref[...])


def _lin_stats_body(h_ref, a_ref, w_ref, b_ref, y_ref, s_ref):
    i = pl.program_id(0)
    z = h_ref[...] + a_ref[...]
    y = jnp.dot(z, w_ref[...], preferred_element_type=jnp.float32) + b_ref[...]
    y_ref[...] = y

    @pl.when(i == 0)
    def _():
        s_ref[...] = jnp.zeros_like(s_ref)
    s_ref[0:1, :] += jnp.sum(y, axis=0, keepdims=True)
    s_ref[1:2, :] += jnp.sum(y * y, axis=0, keepdims=True)


def _bn_lin_stats_body(y_ref, s1_ref, g_ref, bb_ref, w_ref, b_ref,
                       u_ref, s2_ref):
    i = pl.program_id(0)
    s1 = s1_ref[...]
    mean = s1[0:1, :] * (1.0 / N)
    var = s1[1:2, :] * (1.0 / N) - mean * mean
    scale = lax.rsqrt(var + EPS_BN) * g_ref[...]
    a = jnp.maximum((y_ref[...] - mean) * scale + bb_ref[...], 0.0)
    u = jnp.dot(a, w_ref[...], preferred_element_type=jnp.float32) + b_ref[...]
    u_ref[...] = u

    @pl.when(i == 0)
    def _():
        s2_ref[...] = jnp.zeros_like(s2_ref)
    s2_ref[0:1, :] += jnp.sum(u, axis=0, keepdims=True)
    s2_ref[1:2, :] += jnp.sum(u * u, axis=0, keepdims=True)


def _bn_relu_body(u_ref, s_ref, g_ref, bb_ref, o_ref):
    s = s_ref[...]
    mean = s[0:1, :] * (1.0 / N)
    var = s[1:2, :] * (1.0 / N) - mean * mean
    scale = lax.rsqrt(var + EPS_BN) * g_ref[...]
    o_ref[...] = jnp.maximum((u_ref[...] - mean) * scale + bb_ref[...], 0.0)


def _bn_relu_pool_body(u_ref, s_ref, g_ref, bb_ref, batch_ref,
                       sums_ref, cnt_ref):
    i = pl.program_id(0)
    s = s_ref[...]
    mean = s[0:1, :] * (1.0 / N)
    var = s[1:2, :] * (1.0 / N) - mean * mean
    scale = lax.rsqrt(var + EPS_BN) * g_ref[...]
    h = jnp.maximum((u_ref[...] - mean) * scale + bb_ref[...], 0.0)

    gids = lax.broadcasted_iota(jnp.int32, (1, NUM_GRAPHS), 1)
    onehot = (batch_ref[...] == gids).astype(jnp.float32)

    @pl.when(i == 0)
    def _():
        sums_ref[...] = jnp.zeros_like(sums_ref)
        cnt_ref[...] = jnp.zeros_like(cnt_ref)
    sums_ref[...] += lax.dot_general(
        onehot, h, (((0,), (0,)), ((), ())),
        preferred_element_type=jnp.float32)
    cnt_ref[...] += jnp.sum(onehot, axis=0, keepdims=True).T


def _pool_proj_body(s_ref, c_ref, w_ref, b_ref, o_ref):
    pooled = s_ref[...] / jnp.maximum(c_ref[...], 1.0)
    o_ref[...] = (jnp.dot(pooled, w_ref[...],
                          preferred_element_type=jnp.float32) + b_ref[...])


def _row_spec(rows, cols):
    return pl.BlockSpec((rows, cols), lambda i: (i, 0))


def _const_spec(rows, cols):
    return pl.BlockSpec((rows, cols), lambda i: (0, 0))


_enc_atom = pl.pallas_call(
    _enc_body,
    grid=(NB,),
    in_specs=[_row_spec(BN_ROWS, 16), _const_spec(16, HID),
              _const_spec(1, HID)],
    out_specs=_row_spec(BN_ROWS, HID),
    out_shape=jax.ShapeDtypeStruct((N, HID), jnp.float32),
)

_enc_bond = pl.pallas_call(
    _enc_body,
    grid=(NBE,),
    in_specs=[_row_spec(BE_ROWS, 8), _const_spec(8, HID),
              _const_spec(1, HID)],
    out_specs=_row_spec(BE_ROWS, HID),
    out_shape=jax.ShapeDtypeStruct((E_PAD, HID), jnp.float32),
)

_lin_stats = pl.pallas_call(
    _lin_stats_body,
    grid=(NB,),
    in_specs=[_row_spec(BN_ROWS, HID), _row_spec(BN_ROWS, HID),
              _const_spec(HID, HID), _const_spec(1, HID)],
    out_specs=[_row_spec(BN_ROWS, HID), _const_spec(2, HID)],
    out_shape=[jax.ShapeDtypeStruct((N, HID), jnp.float32),
               jax.ShapeDtypeStruct((2, HID), jnp.float32)],
)

_bn_lin_stats = pl.pallas_call(
    _bn_lin_stats_body,
    grid=(NB,),
    in_specs=[_row_spec(BN_ROWS, HID), _const_spec(2, HID),
              _const_spec(1, HID), _const_spec(1, HID),
              _const_spec(HID, HID), _const_spec(1, HID)],
    out_specs=[_row_spec(BN_ROWS, HID), _const_spec(2, HID)],
    out_shape=[jax.ShapeDtypeStruct((N, HID), jnp.float32),
               jax.ShapeDtypeStruct((2, HID), jnp.float32)],
)

_bn_relu = pl.pallas_call(
    _bn_relu_body,
    grid=(NB,),
    in_specs=[_row_spec(BN_ROWS, HID), _const_spec(2, HID),
              _const_spec(1, HID), _const_spec(1, HID)],
    out_specs=_row_spec(BN_ROWS, HID),
    out_shape=jax.ShapeDtypeStruct((N, HID), jnp.float32),
)

_bn_relu_pool = pl.pallas_call(
    _bn_relu_pool_body,
    grid=(NB,),
    in_specs=[_row_spec(BN_ROWS, HID), _const_spec(2, HID),
              _const_spec(1, HID), _const_spec(1, HID),
              _row_spec(BN_ROWS, 1)],
    out_specs=[_const_spec(NUM_GRAPHS, HID), _const_spec(NUM_GRAPHS, 1)],
    out_shape=[jax.ShapeDtypeStruct((NUM_GRAPHS, HID), jnp.float32),
               jax.ShapeDtypeStruct((NUM_GRAPHS, 1), jnp.float32)],
)

_pool_proj = pl.pallas_call(
    _pool_proj_body,
    grid=(1,),
    in_specs=[_const_spec(NUM_GRAPHS, HID), _const_spec(NUM_GRAPHS, 1),
              _const_spec(HID, OUT_DIM), _const_spec(1, OUT_DIM)],
    out_specs=_const_spec(NUM_GRAPHS, OUT_DIM),
    out_shape=jax.ShapeDtypeStruct((NUM_GRAPHS, OUT_DIM), jnp.float32),
)


def kernel(x, edge_index, edge_attr, batch, params):
    p = params
    src = edge_index[0].astype(jnp.int32)
    dst = edge_index[1].astype(jnp.int32)
    src_pad = jnp.pad(src, (0, E_PAD - E))
    dst_pad = jnp.pad(dst, (0, E_PAD - E), constant_values=N)
    ea_pad = jnp.pad(edge_attr, ((0, E_PAD - E), (0, 8 - EDGE_DIM)))
    x_pad = jnp.pad(x, ((0, 0), (0, 16 - IN_DIM)))
    aw = jnp.pad(p["atom_W"], ((0, 16 - IN_DIM), (0, 0)))
    bw = jnp.pad(p["bond_W"], ((0, 8 - EDGE_DIM), (0, 0)))
    batch2d = batch.astype(jnp.int32).reshape(N, 1)

    def row(v):
        return v.reshape(1, -1)

    h = _enc_atom(x_pad, aw, row(p["atom_b"]))
    e = _enc_bond(ea_pad, bw, row(p["bond_b"]))

    sums = cnts = None
    for l, lp in enumerate(p["layers"]):
        aggr = _aggr_call(h, e, src_pad, dst_pad)
        y, s1 = _lin_stats(h, aggr, lp["lin1_W"], row(lp["lin1_b"]))
        u, s2 = _bn_lin_stats(y, s1, row(lp["bn1_g"]), row(lp["bn1_b"]),
                              lp["lin2_W"], row(lp["lin2_b"]))
        if l < 2:
            h = _bn_relu(u, s2, row(lp["bn_g"]), row(lp["bn_b"]))
        else:
            sums, cnts = _bn_relu_pool(u, s2, row(lp["bn_g"]),
                                       row(lp["bn_b"]), batch2d)

    return _pool_proj(sums, cnts, p["proj_W"], row(p["proj_b"]))

# --- scband reference (transcript-rebuilt; emitter-appended) ---
"""Pipeline reference for scband-mpnnencoder-11690900979945 (READ-ONLY COPY).

The authoritative reference and input builder live on the scoring server;
editing this copy changes nothing except your own understanding.
"""

import jax, jax.numpy as jnp
import numpy as np

N = 50000
E = 800000
IN_DIM = 9
EDGE_DIM = 3
HID = 64
OUT_DIM = 128
NUM_LAYERS = 3
NUM_GRAPHS = 512
EPS_BN = 1e-5


def setup_inputs(seed: int = 0) -> dict:
    key = jax.random.key(seed)
    ks = jax.random.split(key, 8 + NUM_LAYERS * 8)
    x = jax.random.normal(ks[0], (N, IN_DIM), dtype=jnp.float32)
    edge_index = jax.random.randint(ks[1], (2, E), 0, N, dtype=jnp.int64)
    edge_attr = jax.random.normal(ks[2], (E, EDGE_DIM), dtype=jnp.float32)
    batch = jnp.sort(jax.random.randint(ks[3], (N,), 0, NUM_GRAPHS, dtype=jnp.int64))
    params = {
        "atom_W": jax.random.normal(ks[4], (IN_DIM, HID), dtype=jnp.float32) * 0.1,
        "atom_b": jnp.zeros((HID,), dtype=jnp.float32),
        "bond_W": jax.random.normal(ks[5], (EDGE_DIM, HID), dtype=jnp.float32) * 0.1,
        "bond_b": jnp.zeros((HID,), dtype=jnp.float32),
        "proj_W": jax.random.normal(ks[6], (HID, OUT_DIM), dtype=jnp.float32) * 0.1,
        "proj_b": jnp.zeros((OUT_DIM,), dtype=jnp.float32),
        "layers": [],
    }
    for l in range(NUM_LAYERS):
        k0 = ks[8 + l * 8]
        k1 = ks[8 + l * 8 + 1]
        params["layers"].append({
            "lin1_W": jax.random.normal(k0, (HID, HID), dtype=jnp.float32) * 0.1,
            "lin1_b": jnp.zeros((HID,), dtype=jnp.float32),
            "bn1_g": jnp.ones((HID,), dtype=jnp.float32),
            "bn1_b": jnp.zeros((HID,), dtype=jnp.float32),
            "lin2_W": jax.random.normal(k1, (HID, HID), dtype=jnp.float32) * 0.1,
            "lin2_b": jnp.zeros((HID,), dtype=jnp.float32),
            "bn_g": jnp.ones((HID,), dtype=jnp.float32),
            "bn_b": jnp.zeros((HID,), dtype=jnp.float32),
        })
    return {"x": x, "edge_index": edge_index, "edge_attr": edge_attr, "batch": batch, "params": params}


def _batch_norm(h, g, b):
    mu = jnp.mean(h, axis=0)
    var = jnp.var(h, axis=0)
    return (h - mu) / jnp.sqrt(var + EPS_BN) * g + b


def _forward(x, edge_attr, params, edge_index, batch):
    h = x @ params["atom_W"] + params["atom_b"]
    e = edge_attr @ params["bond_W"] + params["bond_b"]
    src = edge_index[0]
    dst = edge_index[1]
    for lp in params["layers"]:
        # GINEConv: message = relu(x_j + edge_attr), sum-aggregate at dst
        msg = jax.nn.relu(h[src] + e)
        aggr = jnp.zeros_like(h).at[dst].add(msg)
        z = h + aggr  # (1 + eps) * x_i with eps = 0
        # mlp: Linear -> BatchNorm -> ReLU -> Linear
        z = z @ lp["lin1_W"] + lp["lin1_b"]
        z = _batch_norm(z, lp["bn1_g"], lp["bn1_b"])
        z = jax.nn.relu(z)
        z = z @ lp["lin2_W"] + lp["lin2_b"]
        # outer BatchNorm + ReLU (dropout p=0.0 is identity)
        z = _batch_norm(z, lp["bn_g"], lp["bn_b"])
        h = jax.nn.relu(z)
    # global mean pool over graphs
    sums = jax.ops.segment_sum(h, batch, num_segments=NUM_GRAPHS)
    counts = jax.ops.segment_sum(jnp.ones((h.shape[0], 1), dtype=h.dtype), batch, num_segments=NUM_GRAPHS)
    pooled = sums / jnp.maximum(counts, 1.0)
    out = pooled @ params["proj_W"] + params["proj_b"]
    return out


def reference(x, edge_index, edge_attr, batch, params):
    return _forward(x, edge_attr, params, edge_index, batch)

if __name__ == "__main__":
    import jax
    _d = setup_inputs()
    print(jax.jit(kernel)(*tuple(_d.values())))

</pallas_src>

<mosaic_0001>
#map = affine_map<(d0, d1) -> (0, 0)>
#map1 = affine_map<(d0, d1) -> (0)>
module attributes {stable_mosaic.version = 14 : i64} {
  func.func @_aggr_sc_body(%arg0: i32, %arg1: i32, %arg2: memref<50000x64xf32, #tpu.memory_space<hbm>>, %arg3: memref<802816x64xf32, #tpu.memory_space<hbm>>, %arg4: memref<802816xi32, #tpu.memory_space<hbm>>, %arg5: memref<802816xi32, #tpu.memory_space<hbm>>, %arg6: memref<50000x64xf32, #tpu.memory_space<hbm>>, %arg7: memref<25088x64xf32, #tpu.memory_space<vmem_shared>>, %arg8: memref<128xi32, #tpu.memory_space<vmem>>, %arg9: memref<128xi32, #tpu.memory_space<vmem>>, %arg10: memref<128xi32, #tpu.memory_space<vmem>>, %arg11: memref<128x64xf32, #tpu.memory_space<vmem>>, %arg12: memref<128x64xf32, #tpu.memory_space<vmem>>, %arg13: memref<112x64xf32, #tpu.memory_space<vmem>>, %arg14: memref<!tpu.dma_semaphore, #tpu.memory_space<semaphore_mem>>) attributes {dimension_semantics = [#tpu.dimension_semantics<core_parallel>, #tpu.dimension_semantics<subcore_parallel>], iteration_bounds = array<i64: 2, 16>, scalar_prefetch = 0 : i64, scratch_operands = 8 : i64, tpu.core_type = #tpu.core_type<sc_vector_subcore>, window_params = [{transform_indices = #map}, {transform_indices = #map}, {transform_indices = #map1}, {transform_indices = #map1}, {transform_indices = #map}]} {
    %scan3A = arith.constant 0 : i32
    %scan3A_0 = arith.constant 0 : i32
    %scan3A_1 = arith.constant 112 : i32
    %scan3A_2 = arith.addi %scan3A_0, %scan3A_1 : i32
    %scan3A_3 = arith.constant 1 : i32
    scf.for %scan3A_27 = %scan3A_0 to %scan3A_2 step %scan3A_3  : i32 {
      %broadcast_in_dim3A = arith.constant 0.000000e+00 : f32
      %broadcast_in_dim3A_28 = vector.broadcast %broadcast_in_dim3A : f32 to vector<16xf32>
      %swap3A = arith.index_cast %scan3A_27 : i32 to index
      %swap3A_29 = arith.constant 0 : index
      %swap3A_30 = tpu.vector_load %arg13[%swap3A, %swap3A_29] {strides = array<i32>} : memref<112x64xf32, #tpu.memory_space<vmem>>, vector<1x16xf32>,
      %swap3A_31 = vector.shape_cast %swap3A_30 : vector<1x16xf32> to vector<16xf32>
      %swap3A_32 = vector.shape_cast %broadcast_in_dim3A_28 : vector<16xf32> to vector<1x16xf32>
      tpu.vector_store %arg13[%swap3A, %swap3A_29], %swap3A_32 {strides = array<i32>} : memref<112x64xf32, #tpu.memory_space<vmem>>, vector<1x16xf32>,
      %broadcast_in_dim3A_33 = arith.constant 0.000000e+00 : f32
      %broadcast_in_dim3A_34 = vector.broadcast %broadcast_in_dim3A_33 : f32 to vector<16xf32>
      %swap3A_35 = arith.index_cast %scan3A_27 : i32 to index
      %swap3A_36 = arith.constant 16 : index
      %swap3A_37 = tpu.vector_load %arg13[%swap3A_35, %swap3A_36] {strides = array<i32>} : memref<112x64xf32, #tpu.memory_space<vmem>>, vector<1x16xf32>,
      %swap3A_38 = vector.shape_cast %swap3A_37 : vector<1x16xf32> to vector<16xf32>
      %swap3A_39 = vector.shape_cast %broadcast_in_dim3A_34 : vector<16xf32> to vector<1x16xf32>
      tpu.vector_store %arg13[%swap3A_35, %swap3A_36], %swap3A_39 {strides = array<i32>} : memref<112x64xf32, #tpu.memory_space<vmem>>, vector<1x16xf32>,
      %broadcast_in_dim3A_40 = arith.constant 0.000000e+00 : f32
      %broadcast_in_dim3A_41 = vector.broadcast %broadcast_in_dim3A_40 : f32 to vector<16xf32>
      %swap3A_42 = arith.index_cast %scan3A_27 : i32 to index
      %swap3A_43 = arith.constant 32 : index
      %swap3A_44 = tpu.vector_load %arg13[%swap3A_42, %swap3A_43] {strides = array<i32>} : memref<112x64xf32, #tpu.memory_space<vmem>>, vector<1x16xf32>,
      %swap3A_45 = vector.shape_cast %swap3A_44 : vector<1x16xf32> to vector<16xf32>
      %swap3A_46 = vector.shape_cast %broadcast_in_dim3A_41 : vector<16xf32> to vector<1x16xf32>
      tpu.vector_store %arg13[%swap3A_42, %swap3A_43], %swap3A_46 {strides = array<i32>} : memref<112x64xf32, #tpu.memory_space<vmem>>, vector<1x16xf32>,
      %broadcast_in_dim3A_47 = arith.constant 0.000000e+00 : f32
      %broadcast_in_dim3A_48 = vector.broadcast %broadcast_in_dim3A_47 : f32 to vector<16xf32>
      %swap3A_49 = arith.index_cast %scan3A_27 : i32 to index
      %swap3A_50 = arith.constant 48 : index
      %swap3A_51 = tpu.vector_load %arg13[%swap3A_49, %swap3A_50] {strides = array<i32>} : memref<112x64xf32, #tpu.memory_space<vmem>>, vector<1x16xf32>,
      %swap3A_52 = vector.shape_cast %swap3A_51 : vector<1x16xf32> to vector<16xf32>
      %swap3A_53 = vector.shape_cast %broadcast_in_dim3A_48 : vector<16xf32> to vector<1x16xf32>
      tpu.vector_store %arg13[%swap3A_49, %swap3A_50], %swap3A_53 {strides = array<i32>} : memref<112x64xf32, #tpu.memory_space<vmem>>, vector<1x16xf32>,
    }
    %scan3A_4 = arith.constant 112 : i32
    %scan3A_5 = arith.constant 0 : i32
    %scan3A_6 = arith.constant 0 : i32
    %scan3A_7 = arith.constant 14 : i32
    %scan3A_8 = arith.addi %scan3A_6, %scan3A_7 : i32
    %scan3A_9 = arith.constant 1 : i32
    scf.for %scan3A_27 = %scan3A_6 to %scan3A_8 step %scan3A_9  : i32 {
      %mul3A_28 = arith.constant 14 : i32
      %mul3A_29 = arith.muli %arg1, %mul3A_28 : i32
      %add3A = arith.addi %mul3A_29, %scan3A_27 : i32
      %mul3A_30 = arith.constant 112 : i32
      %mul3A_31 = arith.muli %add3A, %mul3A_30 : i32
      %multiple_of3A = tpu.assume_multiple %mul3A_31, 8 : i32
      "tpu.region"() ({
        %run_scoped3A = tpu.sem_alloc : memref<!tpu.dma_semaphore, #tpu.memory_space<semaphore_mem>>
        %dma_start3A = arith.constant 0 : i32
        %dma_start3A_32 = tpu.memref_slice %arg7[%multiple_of3A, %dma_start3A] : memref<25088x64xf32, #tpu.memory_space<vmem_shared>> -> memref<112x64xf32, #tpu.memory_space<vmem_shared>>
        %dma_start3A_33 = arith.constant 0 : i32
        %dma_start3A_34 = tpu.memref_slice %arg7[%multiple_of3A, %dma_start3A_33] : memref<25088x64xf32, #tpu.memory_space<vmem_shared>> -> memref<112x64xf32, #tpu.memory_space<vmem_shared>>
        tpu.enqueue_dma source(%arg13 : memref<112x64xf32, #tpu.memory_space<vmem>>) target(%dma_start3A_34 : memref<112x64xf32, #tpu.memory_space<vmem_shared>>) target_semaphore(%run_scoped3A : memref<!tpu.dma_semaphore, #tpu.memory_space<semaphore_mem>>)
        %dma_wait3A = arith.constant 0 : i32
        %dma_wait3A_35 = tpu.memref_slice %arg7[%multiple_of3A, %dma_wait3A] : memref<25088x64xf32, #tpu.memory_space<vmem_shared>> -> memref<112x64xf32, #tpu.memory_space<vmem_shared>>
        %dma_wait3A_36 = arith.constant 0 : i32
        %dma_wait3A_37 = tpu.memref_slice %arg7[%multiple_of3A, %dma_wait3A_36] : memref<25088x64xf32, #tpu.memory_space<vmem_shared>> -> memref<112x64xf32, #tpu.memory_space<vmem_shared>>
        tpu.wait_dma2 semaphore(%run_scoped3A : memref<!tpu.dma_semaphore, #tpu.memory_space<semaphore_mem>>) src(%arg13 : memref<112x64xf32, #tpu.memory_space<vmem>>) dst(%dma_wait3A_37 : memref<112x64xf32, #tpu.memory_space<vmem_shared>>)
        tpu.yield
      }) : () -> ()
    }
    %scan3A_10 = arith.constant 14 : i32
    %barrier3A = arith.constant 0 : index
    tpu.barrier barrier_id(%barrier3A)
    %mul3A = arith.constant 25000 : i32
    %mul3A_11 = arith.muli %arg0, %mul3A : i32
    %mul3A_12 = arith.constant 50176 : i32
    %mul3A_13 = arith.muli %arg1, %mul3A_12 : i32
    %scan3A_14 = arith.constant 0 : i32
    %scan3A_15 = arith.constant 0 : i32
    %scan3A_16 = arith.constant 392 : i32
    %scan3A_17 = arith.addi %scan3A_15, %scan3A_16 : i32
    %scan3A_18 = arith.constant 1 : i32
    scf.for %scan3A_27 = %scan3A_15 to %scan3A_17 step %scan3A_18  : i32 {
      %mul3A_28 = arith.constant 128 : i32
      %mul3A_29 = arith.muli %scan3A_27, %mul3A_28 : i32
      %add3A = arith.addi %mul3A_13, %mul3A_29 : i32
      %multiple_of3A = tpu.assume_multiple %add3A, 8 : i32
      "tpu.region"() ({
        %run_scoped3A = tpu.sem_alloc : memref<!tpu.dma_semaphore, #tpu.memory_space<semaphore_mem>>
        %dma_start3A_46 = tpu.memref_slice %arg4[%multiple_of3A] : memref<802816xi32, #tpu.memory_space<hbm>> -> memref<128xi32, #tpu.memory_space<hbm>>
        %dma_start3A_47 = tpu.memref_slice %arg4[%multiple_of3A] : memref<802816xi32, #tpu.memory_space<hbm>> -> memref<128xi32, #tpu.memory_space<hbm>>
        tpu.enqueue_dma source(%dma_start3A_47 : memref<128xi32, #tpu.memory_space<hbm>>) target(%arg8 : memref<128xi32, #tpu.memory_space<vmem>>) target_semaphore(%run_scoped3A : memref<!tpu.dma_semaphore, #tpu.memory_space<semaphore_mem>>)
        %dma_wait3A_48 = tpu.memref_slice %arg4[%multiple_of3A] : memref<802816xi32, #tpu.memory_space<hbm>> -> memref<128xi32, #tpu.memory_space<hbm>>
        %dma_wait3A_49 = tpu.memref_slice %arg4[%multiple_of3A] : memref<802816xi32, #tpu.memory_space<hbm>> -> memref<128xi32, #tpu.memory_space<hbm>>
        tpu.wait_dma2 semaphore(%run_scoped3A : memref<!tpu.dma_semaphore, #tpu.memory_space<semaphore_mem>>) src(%dma_wait3A_49 : memref<128xi32, #tpu.memory_space<hbm>>) dst(%arg8 : memref<128xi32, #tpu.memory_space<vmem>>)
        tpu.yield
      }) : () -> ()
      "tpu.region"() ({
        %run_scoped3A = tpu.sem_alloc : memref<!tpu.dma_semaphore, #tpu.memory_space<semaphore_mem>>
        %dma_start3A_46 = tpu.memref_slice %arg5[%multiple_of3A] : memref<802816xi32, #tpu.memory_space<hbm>> -> memref<128xi32, #tpu.memory_space<hbm>>
        %dma_start3A_47 = tpu.memref_slice %arg5[%multiple_of3A] : memref<802816xi32, #tpu.memory_space<hbm>> -> memref<128xi32, #tpu.memory_space<hbm>>
        tpu.enqueue_dma source(%dma_start3A_47 : memref<128xi32, #tpu.memory_space<hbm>>) target(%arg9 : memref<128xi32, #tpu.memory_space<vmem>>) target_semaphore(%run_scoped3A : memref<!tpu.dma_semaphore, #tpu.memory_space<semaphore_mem>>)
        %dma_wait3A_48 = tpu.memref_slice %arg5[%multiple_of3A] : memref<802816xi32, #tpu.memory_space<hbm>> -> memref<128xi32, #tpu.memory_space<hbm>>
        %dma_wait3A_49 = tpu.memref_slice %arg5[%multiple_of3A] : memref<802816xi32, #tpu.memory_space<hbm>> -> memref<128xi32, #tpu.memory_space<hbm>>
        tpu.wait_dma2 semaphore(%run_scoped3A : memref<!tpu.dma_semaphore, #tpu.memory_space<semaphore_mem>>) src(%dma_wait3A_49 : memref<128xi32, #tpu.memory_space<hbm>>) dst(%arg9 : memref<128xi32, #tpu.memory_space<vmem>>)
        tpu.yield
      }) : () -> ()
      %dma_start3A = arith.constant 0 : i32
      %dma_start3A_30 = arith.constant 0 : i32
      %dma_start3A_31 = tpu.memref_slice %arg2[%dma_start3A, %dma_start3A_30] : memref<50000x64xf32, #tpu.memory_space<hbm>> -> memref<50000x64xf32, #tpu.memory_space<hbm>>
      tpu.enqueue_indirect_dma source(%dma_start3A_31 : memref<50000x64xf32, #tpu.memory_space<hbm>>) target(%arg11 : memref<128x64xf32, #tpu.memory_space<vmem>>) offsets(%arg8 : memref<128xi32, #tpu.memory_space<vmem>>) semaphore(%arg14 : memref<!tpu.dma_semaphore, #tpu.memory_space<semaphore_mem>>)
      %dma_wait3A = arith.constant 0 : i32
      %dma_wait3A_32 = arith.constant 0 : i32
      %dma_wait3A_33 = tpu.memref_slice %arg2[%dma_wait3A, %dma_wait3A_32] : memref<50000x64xf32, #tpu.memory_space<hbm>> -> memref<50000x64xf32, #tpu.memory_space<hbm>>
      tpu.wait_indirect_dma semaphore(%arg14 : memref<!tpu.dma_semaphore, #tpu.memory_space<semaphore_mem>>) src(%dma_wait3A_33 : memref<50000x64xf32, #tpu.memory_space<hbm>>) dst(%arg11 : memref<128x64xf32, #tpu.memory_space<vmem>>)
      "tpu.region"() ({
        %run_scoped3A = tpu.sem_alloc : memref<!tpu.dma_semaphore, #tpu.memory_space<semaphore_mem>>
        %dma_start3A_46 = arith.constant 0 : i32
        %dma_start3A_47 = tpu.memref_slice %arg3[%multiple_of3A, %dma_start3A_46] : memref<802816x64xf32, #tpu.memory_space<hbm>> -> memref<128x64xf32, #tpu.memory_space<hbm>>
        %dma_start3A_48 = arith.constant 0 : i32
        %dma_start3A_49 = tpu.memref_slice %arg3[%multiple_of3A, %dma_start3A_48] : memref<802816x64xf32, #tpu.memory_space<hbm>> -> memref<128x64xf32, #tpu.memory_space<hbm>>
        tpu.enqueue_dma source(%dma_start3A_49 : memref<128x64xf32, #tpu.memory_space<hbm>>) target(%arg12 : memref<128x64xf32, #tpu.memory_space<vmem>>) target_semaphore(%run_scoped3A : memref<!tpu.dma_semaphore, #tpu.memory_space<semaphore_mem>>)
        %dma_wait3A_50 = arith.constant 0 : i32
        %dma_wait3A_51 = tpu.memref_slice %arg3[%multiple_of3A, %dma_wait3A_50] : memref<802816x64xf32, #tpu.memory_space<hbm>> -> memref<128x64xf32, #tpu.memory_space<hbm>>
        %dma_wait3A_52 = arith.constant 0 : i32
        %dma_wait3A_53 = tpu.memref_slice %arg3[%multiple_of3A, %dma_wait3A_52] : memref<802816x64xf32, #tpu.memory_space<hbm>> -> memref<128x64xf32, #tpu.memory_space<hbm>>
        tpu.wait_dma2 semaphore(%run_scoped3A : memref<!tpu.dma_semaphore, #tpu.memory_space<semaphore_mem>>) src(%dma_wait3A_53 : memref<128x64xf32, #tpu.memory_space<hbm>>) dst(%arg12 : memref<128x64xf32, #tpu.memory_space<vmem>>)
        tpu.yield
      }) : () -> ()
      %scan3A_34 = arith.constant 0 : i32
      %scan3A_35 = arith.constant 0 : i32
      %scan3A_36 = arith.constant 128 : i32
      %scan3A_37 = arith.addi %scan3A_35, %scan3A_36 : i32
      %scan3A_38 = arith.constant 1 : i32
      scf.for %scan3A_46 = %scan3A_35 to %scan3A_37 step %scan3A_38  : i32 {
        %get3A = arith.index_cast %scan3A_46 : i32 to index
        %get3A_47 = arith.constant 0 : index
        %get3A_48 = tpu.vector_load %arg11[%get3A, %get3A_47] {strides = array<i32>} : memref<128x64xf32, #tpu.memory_space<vmem>>, vector<1x16xf32>,
        %get3A_49 = vector.shape_cast %get3A_48 : vector<1x16xf32> to vector<16xf32>
        %get3A_50 = arith.index_cast %scan3A_46 : i32 to index
        %get3A_51 = arith.constant 0 : index
        %get3A_52 = tpu.vector_load %arg12[%get3A_50, %get3A_51] {strides = array<i32>} : memref<128x64xf32, #tpu.memory_space<vmem>>, vector<1x16xf32>,
        %get3A_53 = vector.shape_cast %get3A_52 : vector<1x16xf32> to vector<16xf32>
        %add3A_54 = arith.addf %get3A_49, %get3A_53 : vector<16xf32>
        %max3A = arith.constant 0.000000e+00 : f32
        %max3A_55 = vector.broadcast %max3A : f32 to vector<16xf32>
        %max3A_56 = arith.maximumf %add3A_54, %max3A_55 : vector<16xf32>
        %swap3A = arith.index_cast %scan3A_46 : i32 to index
        %swap3A_57 = arith.constant 0 : index
        %swap3A_58 = tpu.vector_load %arg11[%swap3A, %swap3A_57] {strides = array<i32>} : memref<128x64xf32, #tpu.memory_space<vmem>>, vector<1x16xf32>,
        %swap3A_59 = vector.shape_cast %swap3A_58 : vector<1x16xf32> to vector<16xf32>
        %swap3A_60 = vector.shape_cast %max3A_56 : vector<16xf32> to vector<1x16xf32>
        tpu.vector_store %arg11[%swap3A, %swap3A_57], %swap3A_60 {strides = array<i32>} : memref<128x64xf32, #tpu.memory_space<vmem>>, vector<1x16xf32>,
        %get3A_61 = arith.index_cast %scan3A_46 : i32 to index
        %get3A_62 = arith.constant 16 : index
        %get3A_63 = tpu.vector_load %arg11[%get3A_61, %get3A_62] {strides = array<i32>} : memref<128x64xf32, #tpu.memory_space<vmem>>, vector<1x16xf32>,
        %get3A_64 = vector.shape_cast %get3A_63 : vector<1x16xf32> to vector<16xf32>
        %get3A_65 = arith.index_cast %scan3A_46 : i32 to index
        %get3A_66 = arith.constant 16 : index
        %get3A_67 = tpu.vector_load %arg12[%get3A_65, %get3A_66] {strides = array<i32>} : memref<128x64xf32, #tpu.memory_space<vmem>>, vector<1x16xf32>,
        %get3A_68 = vector.shape_cast %get3A_67 : vector<1x16xf32> to vector<16xf32>
        %add3A_69 = arith.addf %get3A_64, %get3A_68 : vector<16xf32>
        %max3A_70 = arith.constant 0.000000e+00 : f32
        %max3A_71 = vector.broadcast %max3A_70 : f32 to vector<16xf32>
        %max3A_72 = arith.maximumf %add3A_69, %max3A_71 : vector<16xf32>
        %swap3A_73 = arith.index_cast %scan3A_46 : i32 to index
        %swap3A_74 = arith.constant 16 : index
        %swap3A_75 = tpu.vector_load %arg11[%swap3A_73, %swap3A_74] {strides = array<i32>} : memref<128x64xf32, #tpu.memory_space<vmem>>, vector<1x16xf32>,
        %swap3A_76 = vector.shape_cast %swap3A_75 : vector<1x16xf32> to vector<16xf32>
        %swap3A_77 = vector.shape_cast %max3A_72 : vector<16xf32> to vector<1x16xf32>
        tpu.vector_store %arg11[%swap3A_73, %swap3A_74], %swap3A_77 {strides = array<i32>} : memref<128x64xf32, #tpu.memory_space<vmem>>, vector<1x16xf32>,
        %get3A_78 = arith.index_cast %scan3A_46 : i32 to index
        %get3A_79 = arith.constant 32 : index
        %get3A_80 = tpu.vector_load %arg11[%get3A_78, %get3A_79] {strides = array<i32>} : memref<128x64xf32, #tpu.memory_space<vmem>>, vector<1x16xf32>,
        %get3A_81 = vector.shape_cast %get3A_80 : vector<1x16xf32> to vector<16xf32>
        %get3A_82 = arith.index_cast %scan3A_46 : i32 to index
        %get3A_83 = arith.constant 32 : index
        %get3A_84 = tpu.vector_load %arg12[%get3A_82, %get3A_83] {strides = array<i32>} : memref<128x64xf32, #tpu.memory_space<vmem>>, vector<1x16xf32>,
        %get3A_85 = vector.shape_cast %get3A_84 : vector<1x16xf32> to vector<16xf32>
        %add3A_86 = arith.addf %get3A_81, %get3A_85 : vector<16xf32>
        %max3A_87 = arith.constant 0.000000e+00 : f32
        %max3A_88 = vector.broadcast %max3A_87 : f32 to vector<16xf32>
        %max3A_89 = arith.maximumf %add3A_86, %max3A_88 : vector<16xf32>
        %swap3A_90 = arith.index_cast %scan3A_46 : i32 to index
        %swap3A_91 = arith.constant 32 : index
        %swap3A_92 = tpu.vector_load %arg11[%swap3A_90, %swap3A_91] {strides = array<i32>} : memref<128x64xf32, #tpu.memory_space<vmem>>, vector<1x16xf32>,
        %swap3A_93 = vector.shape_cast %swap3A_92 : vector<1x16xf32> to vector<16xf32>
        %swap3A_94 = vector.shape_cast %max3A_89 : vector<16xf32> to vector<1x16xf32>
        tpu.vector_store %arg11[%swap3A_90, %swap3A_91], %swap3A_94 {strides = array<i32>} : memref<128x64xf32, #tpu.memory_space<vmem>>, vector<1x16xf32>,
        %get3A_95 = arith.index_cast %scan3A_46 : i32 to index
        %get3A_96 = arith.constant 48 : index
        %get3A_97 = tpu.vector_load %arg11[%get3A_95, %get3A_96] {strides = array<i32>} : memref<128x64xf32, #tpu.memory_space<vmem>>, vector<1x16xf32>,
        %get3A_98 = vector.shape_cast %get3A_97 : vector<1x16xf32> to vector<16xf32>
        %get3A_99 = arith.index_cast %scan3A_46 : i32 to index
        %get3A_100 = arith.constant 48 : index
        %get3A_101 = tpu.vector_load %arg12[%get3A_99, %get3A_100] {strides = array<i32>} : memref<128x64xf32, #tpu.memory_space<vmem>>, vector<1x16xf32>,
        %get3A_102 = vector.shape_cast %get3A_101 : vector<1x16xf32> to vector<16xf32>
        %add3A_103 = arith.addf %get3A_98, %get3A_102 : vector<16xf32>
        %max3A_104 = arith.constant 0.000000e+00 : f32
        %max3A_105 = vector.broadcast %max3A_104 : f32 to vector<16xf32>
        %max3A_106 = arith.maximumf %add3A_103, %max3A_105 : vector<16xf32>
        %swap3A_107 = arith.index_cast %scan3A_46 : i32 to index
        %swap3A_108 = arith.constant 48 : index
        %swap3A_109 = tpu.vector_load %arg11[%swap3A_107, %swap3A_108] {strides = array<i32>} : memref<128x64xf32, #tpu.memory_space<vmem>>, vector<1x16xf32>,
        %swap3A_110 = vector.shape_cast %swap3A_109 : vector<1x16xf32> to vector<16xf32>
        %swap3A_111 = vector.shape_cast %max3A_106 : vector<16xf32> to vector<1x16xf32>
        tpu.vector_store %arg11[%swap3A_107, %swap3A_108], %swap3A_111 {strides = array<i32>} : memref<128x64xf32, #tpu.memory_space<vmem>>, vector<1x16xf32>,
      }
      %scan3A_39 = arith.constant 128 : i32
      %scan3A_40 = arith.constant 0 : i32
      %scan3A_41 = arith.constant 0 : i32
      %scan3A_42 = arith.constant 8 : i32
      %scan3A_43 = arith.addi %scan3A_41, %scan3A_42 : i32
      %scan3A_44 = arith.constant 1 : i32
      scf.for %scan3A_46 = %scan3A_41 to %scan3A_43 step %scan3A_44  : i32 {
        %mul3A_47 = arith.constant 16 : i32
        %mul3A_48 = arith.muli %scan3A_46, %mul3A_47 : i32
        %get3A = arith.index_cast %mul3A_48 : i32 to index
        %get3A_49 = tpu.vector_load %arg9[%get3A] {strides = array<i32>} : memref<128xi32, #tpu.memory_space<vmem>>, vector<16xi32>,
        %get3A_50 = vector.shape_cast %get3A_49 : vector<16xi32> to vector<16xi32>
        %sub3A = vector.broadcast %mul3A_11 : i32 to vector<16xi32>
        %sub3A_51 = arith.subi %get3A_50, %sub3A : vector<16xi32>
        %ge3A = arith.constant 0 : i32
        %ge3A_52 = vector.broadcast %ge3A : i32 to vector<16xi32>
        %ge3A_53 = arith.cmpi sge, %sub3A_51, %ge3A_52 : vector<16xi32>
        %lt3A = arith.constant 25000 : i32
        %lt3A_54 = vector.broadcast %lt3A : i32 to vector<16xi32>
        %lt3A_55 = arith.cmpi slt, %sub3A_51, %lt3A_54 : vector<16xi32>
        %and3A = arith.andi %ge3A_53, %lt3A_55 : vector<16xi1>
        %jit3A = arith.constant 25000 : i32
        %broadcast_in_dim3A = vector.broadcast %jit3A : i32 to vector<16xi32>
        %select_n3A = arith.select %and3A, %sub3A_51, %broadcast_in_dim3A : vector<16xi1>, vector<16xi32>
        %mul3A_56 = arith.constant 16 : i32
        %mul3A_57 = arith.muli %scan3A_46, %mul3A_56 : i32
        %swap3A = arith.index_cast %mul3A_57 : i32 to index
        %swap3A_58 = tpu.vector_load %arg10[%swap3A] {strides = array<i32>} : memref<128xi32, #tpu.memory_space<vmem>>, vector<16xi32>,
        %swap3A_59 = vector.shape_cast %swap3A_58 : vector<16xi32> to vector<16xi32>
        %swap3A_60 = vector.shape_cast %select_n3A : vector<16xi32> to vector<16xi32>
        tpu.vector_store %arg10[%swap3A], %swap3A_60 {strides = array<i32>} : memref<128xi32, #tpu.memory_space<vmem>>, vector<16xi32>,
      }
      %scan3A_45 = arith.constant 8 : i32
      "tpu.region"() ({
        %run_scoped3A = tpu.sem_alloc : memref<!tpu.dma_semaphore, #tpu.memory_space<semaphore_mem>>
        %dma_start3A_46 = arith.constant 0 : i32
        %dma_start3A_47 = arith.constant 0 : i32
        %dma_start3A_48 = tpu.memref_slice %arg7[%dma_start3A_46, %dma_start3A_47] : memref<25088x64xf32, #tpu.memory_space<vmem_shared>> -> memref<25088x64xf32, #tpu.memory_space<vmem_shared>>
        tpu.enqueue_indirect_dma source(%arg11 : memref<128x64xf32, #tpu.memory_space<vmem>>) target(%dma_start3A_48 : memref<25088x64xf32, #tpu.memory_space<vmem_shared>>) offsets(%arg10 : memref<128xi32, #tpu.memory_space<vmem>>) semaphore(%run_scoped3A : memref<!tpu.dma_semaphore, #tpu.memory_space<semaphore_mem>>) {add = true}
        %dma_wait3A_49 = arith.constant 0 : i32
        %dma_wait3A_50 = arith.constant 0 : i32
        %dma_wait3A_51 = tpu.memref_slice %arg7[%dma_wait3A_49, %dma_wait3A_50] : memref<25088x64xf32, #tpu.memory_space<vmem_shared>> -> memref<25088x64xf32, #tpu.memory_space<vmem_shared>>
        tpu.wait_indirect_dma semaphore(%run_scoped3A : memref<!tpu.dma_semaphore, #tpu.memory_space<semaphore_mem>>) src(%arg11 : memref<128x64xf32, #tpu.memory_space<vmem>>) dst(%dma_wait3A_51 : memref<25088x64xf32, #tpu.memory_space<vmem_shared>>)
        tpu.yield
      }) : () -> ()
    }
    %scan3A_19 = arith.constant 392 : i32
    %barrier3A_20 = arith.constant 0 : index
    tpu.barrier barrier_id(%barrier3A_20)
    %scan3A_21 = arith.constant 0 : i32
    %scan3A_22 = arith.constant 0 : i32
    %scan3A_23 = arith.constant 2 : i32
    %scan3A_24 = arith.addi %scan3A_22, %scan3A_23 : i32
    %scan3A_25 = arith.constant 1 : i32
    scf.for %scan3A_27 = %scan3A_22 to %scan3A_24 step %scan3A_25  : i32 {
      %mul3A_28 = arith.constant 16 : i32
      %mul3A_29 = arith.muli %scan3A_27, %mul3A_28 : i32
      %add3A = arith.addi %arg1, %mul3A_29 : i32
      %lt3A = arith.constant 25 : i32
      %lt3A_30 = arith.cmpi slt, %add3A, %lt3A : i32
      %convert_element_type3A = arith.extui %lt3A_30 : i1 to i32
      %cond3A = arith.constant 0 : i32
      %cond3A_31 = arith.cmpi ne, %convert_element_type3A, %cond3A : i32
      scf.if %cond3A_31 {
        %mul3A_32 = arith.constant 1000 : i32
        %mul3A_33 = arith.muli %add3A, %mul3A_32 : i32
        %multiple_of3A = tpu.assume_multiple %mul3A_33, 8 : i32
        %add3A_34 = arith.addi %mul3A_11, %multiple_of3A : i32
        "tpu.region"() ({
          %run_scoped3A = tpu.sem_alloc : memref<!tpu.dma_semaphore, #tpu.memory_space<semaphore_mem>>
          %dma_start3A = arith.constant 0 : i32
          %dma_start3A_35 = tpu.memref_slice %arg6[%add3A_34, %dma_start3A] : memref<50000x64xf32, #tpu.memory_space<hbm>> -> memref<1000x64xf32, #tpu.memory_space<hbm>>
          %dma_start3A_36 = arith.constant 0 : i32
          %dma_start3A_37 = tpu.memref_slice %arg7[%multiple_of3A, %dma_start3A_36] : memref<25088x64xf32, #tpu.memory_space<vmem_shared>> -> memref<1000x64xf32, #tpu.memory_space<vmem_shared>>
          tpu.enqueue_dma source(%dma_start3A_37 : memref<1000x64xf32, #tpu.memory_space<vmem_shared>>) target(%dma_start3A_35 : memref<1000x64xf32, #tpu.memory_space<hbm>>) target_semaphore(%run_scoped3A : memref<!tpu.dma_semaphore, #tpu.memory_space<semaphore_mem>>)
          %dma_wait3A = arith.constant 0 : i32
          %dma_wait3A_38 = tpu.memref_slice %arg6[%add3A_34, %dma_wait3A] : memref<50000x64xf32, #tpu.memory_space<hbm>> -> memref<1000x64xf32, #tpu.memory_space<hbm>>
          %dma_wait3A_39 = arith.constant 0 : i32
          %dma_wait3A_40 = tpu.memref_slice %arg7[%multiple_of3A, %dma_wait3A_39] : memref<25088x64xf32, #tpu.memory_space<vmem_shared>> -> memref<1000x64xf32, #tpu.memory_space<vmem_shared>>
          tpu.wait_dma2 semaphore(%run_scoped3A : memref<!tpu.dma_semaphore, #tpu.memory_space<semaphore_mem>>) src(%dma_wait3A_40 : memref<1000x64xf32, #tpu.memory_space<vmem_shared>>) dst(%dma_wait3A_38 : memref<1000x64xf32, #tpu.memory_space<hbm>>)
          tpu.yield
        }) : () -> ()
      } else {
      }
    }
    %scan3A_26 = arith.constant 2 : i32
    return
  }
}

#map = affine_map<(d0, d1) -> (0, 0)>
#map1 = affine_map<(d0, d1) -> (0)>
module attributes {stable_mosaic.version = 14 : i64} {
  func.func @_aggr_sc_body(%arg0: i32, %arg1: i32, %arg2: memref<50000x64xf32, #tpu.memory_space<hbm>>, %arg3: memref<802816x64xf32, #tpu.memory_space<hbm>>, %arg4: memref<802816xi32, #tpu.memory_space<hbm>>, %arg5: memref<802816xi32, #tpu.memory_space<hbm>>, %arg6: memref<50000x64xf32, #tpu.memory_space<hbm>>, %arg7: memref<25088x64xf32, #tpu.memory_space<vmem_shared>>, %arg8: memref<128xi32, #tpu.memory_space<vmem>>, %arg9: memref<128xi32, #tpu.memory_space<vmem>>, %arg10: memref<128xi32, #tpu.memory_space<vmem>>, %arg11: memref<128x64xf32, #tpu.memory_space<vmem>>, %arg12: memref<128x64xf32, #tpu.memory_space<vmem>>, %arg13: memref<112x64xf32, #tpu.memory_space<vmem>>, %arg14: memref<!tpu.dma_semaphore, #tpu.memory_space<semaphore_mem>>) attributes {dimension_semantics = [#tpu.dimension_semantics<core_parallel>, #tpu.dimension_semantics<subcore_parallel>], iteration_bounds = array<i64: 2, 16>, scalar_prefetch = 0 : i64, scratch_operands = 8 : i64, tpu.core_type = #tpu.core_type<sc_vector_subcore>, window_params = [{transform_indices = #map}, {transform_indices = #map}, {transform_indices = #map1}, {transform_indices = #map1}, {transform_indices = #map}]} {
    %scan3A = arith.constant 0 : i32
    %scan3A_0 = arith.constant 0 : i32
    %scan3A_1 = arith.constant 112 : i32
    %scan3A_2 = arith.addi %scan3A_0, %scan3A_1 : i32
    %scan3A_3 = arith.constant 1 : i32
    scf.for %scan3A_27 = %scan3A_0 to %scan3A_2 step %scan3A_3  : i32 {
      %broadcast_in_dim3A = arith.constant 0.000000e+00 : f32
      %broadcast_in_dim3A_28 = vector.broadcast %broadcast_in_dim3A : f32 to vector<16xf32>
      %swap3A = arith.index_cast %scan3A_27 : i32 to index
      %swap3A_29 = arith.constant 0 : index
      %swap3A_30 = tpu.vector_load %arg13[%swap3A, %swap3A_29] {strides = array<i32>} : memref<112x64xf32, #tpu.memory_space<vmem>>, vector<1x16xf32>,
      %swap3A_31 = vector.shape_cast %swap3A_30 : vector<1x16xf32> to vector<16xf32>
      %swap3A_32 = vector.shape_cast %broadcast_in_dim3A_28 : vector<16xf32> to vector<1x16xf32>
      tpu.vector_store %arg13[%swap3A, %swap3A_29], %swap3A_32 {strides = array<i32>} : memref<112x64xf32, #tpu.memory_space<vmem>>, vector<1x16xf32>,
      %broadcast_in_dim3A_33 = arith.constant 0.000000e+00 : f32
      %broadcast_in_dim3A_34 = vector.broadcast %broadcast_in_dim3A_33 : f32 to vector<16xf32>
      %swap3A_35 = arith.index_cast %scan3A_27 : i32 to index
      %swap3A_36 = arith.constant 16 : index
      %swap3A_37 = tpu.vector_load %arg13[%swap3A_35, %swap3A_36] {strides = array<i32>} : memref<112x64xf32, #tpu.memory_space<vmem>>, vector<1x16xf32>,
      %swap3A_38 = vector.shape_cast %swap3A_37 : vector<1x16xf32> to vector<16xf32>
      %swap3A_39 = vector.shape_cast %broadcast_in_dim3A_34 : vector<16xf32> to vector<1x16xf32>
      tpu.vector_store %arg13[%swap3A_35, %swap3A_36], %swap3A_39 {strides = array<i32>} : memref<112x64xf32, #tpu.memory_space<vmem>>, vector<1x16xf32>,
      %broadcast_in_dim3A_40 = arith.constant 0.000000e+00 : f32
      %broadcast_in_dim3A_41 = vector.broadcast %broadcast_in_dim3A_40 : f32 to vector<16xf32>
      %swap3A_42 = arith.index_cast %scan3A_27 : i32 to index
      %swap3A_43 = arith.constant 32 : index
      %swap3A_44 = tpu.vector_load %arg13[%swap3A_42, %swap3A_43] {strides = array<i32>} : memref<112x64xf32, #tpu.memory_space<vmem>>, vector<1x16xf32>,
      %swap3A_45 = vector.shape_cast %swap3A_44 : vector<1x16xf32> to vector<16xf32>
      %swap3A_46 = vector.shape_cast %broadcast_in_dim3A_41 : vector<16xf32> to vector<1x16xf32>
      tpu.vector_store %arg13[%swap3A_42, %swap3A_43], %swap3A_46 {strides = array<i32>} : memref<112x64xf32, #tpu.memory_space<vmem>>, vector<1x16xf32>,
      %broadcast_in_dim3A_47 = arith.constant 0.000000e+00 : f32
      %broadcast_in_dim3A_48 = vector.broadcast %broadcast_in_dim3A_47 : f32 to vector<16xf32>
      %swap3A_49 = arith.index_cast %scan3A_27 : i32 to index
      %swap3A_50 = arith.constant 48 : index
      %swap3A_51 = tpu.vector_load %arg13[%swap3A_49, %swap3A_50] {strides = array<i32>} : memref<112x64xf32, #tpu.memory_space<vmem>>, vector<1x16xf32>,
      %swap3A_52 = vector.shape_cast %swap3A_51 : vector<1x16xf32> to vector<16xf32>
      %swap3A_53 = vector.shape_cast %broadcast_in_dim3A_48 : vector<16xf32> to vector<1x16xf32>
      tpu.vector_store %arg13[%swap3A_49, %swap3A_50], %swap3A_53 {strides = array<i32>} : memref<112x64xf32, #tpu.memory_space<vmem>>, vector<1x16xf32>,
    }
    %scan3A_4 = arith.constant 112 : i32
    %scan3A_5 = arith.constant 0 : i32
    %scan3A_6 = arith.constant 0 : i32
    %scan3A_7 = arith.constant 14 : i32
    %scan3A_8 = arith.addi %scan3A_6, %scan3A_7 : i32
    %scan3A_9 = arith.constant 1 : i32
    scf.for %scan3A_27 = %scan3A_6 to %scan3A_8 step %scan3A_9  : i32 {
      %mul3A_28 = arith.constant 14 : i32
      %mul3A_29 = arith.muli %arg1, %mul3A_28 : i32
      %add3A = arith.addi %mul3A_29, %scan3A_27 : i32
      %mul3A_30 = arith.constant 112 : i32
      %mul3A_31 = arith.muli %add3A, %mul3A_30 : i32
      %multiple_of3A = tpu.assume_multiple %mul3A_31, 8 : i32
      "tpu.region"() ({
        %run_scoped3A = tpu.sem_alloc : memref<!tpu.dma_semaphore, #tpu.memory_space<semaphore_mem>>
        %dma_start3A = arith.constant 0 : i32
        %dma_start3A_32 = tpu.memref_slice %arg7[%multiple_of3A, %dma_start3A] : memref<25088x64xf32, #tpu.memory_space<vmem_shared>> -> memref<112x64xf32, #tpu.memory_space<vmem_shared>>
        %dma_start3A_33 = arith.constant 0 : i32
        %dma_start3A_34 = tpu.memref_slice %arg7[%multiple_of3A, %dma_start3A_33] : memref<25088x64xf32, #tpu.memory_space<vmem_shared>> -> memref<112x64xf32, #tpu.memory_space<vmem_shared>>
        tpu.enqueue_dma source(%arg13 : memref<112x64xf32, #tpu.memory_space<vmem>>) target(%dma_start3A_34 : memref<112x64xf32, #tpu.memory_space<vmem_shared>>) target_semaphore(%run_scoped3A : memref<!tpu.dma_semaphore, #tpu.memory_space<semaphore_mem>>)
        %dma_wait3A = arith.constant 0 : i32
        %dma_wait3A_35 = tpu.memref_slice %arg7[%multiple_of3A, %dma_wait3A] : memref<25088x64xf32, #tpu.memory_space<vmem_shared>> -> memref<112x64xf32, #tpu.memory_space<vmem_shared>>
        %dma_wait3A_36 = arith.constant 0 : i32
        %dma_wait3A_37 = tpu.memref_slice %arg7[%multiple_of3A, %dma_wait3A_36] : memref<25088x64xf32, #tpu.memory_space<vmem_shared>> -> memref<112x64xf32, #tpu.memory_space<vmem_shared>>
        tpu.wait_dma2 semaphore(%run_scoped3A : memref<!tpu.dma_semaphore, #tpu.memory_space<semaphore_mem>>) src(%arg13 : memref<112x64xf32, #tpu.memory_space<vmem>>) dst(%dma_wait3A_37 : memref<112x64xf32, #tpu.memory_space<vmem_shared>>)
        tpu.yield
      }) : () -> ()
    }
    %scan3A_10 = arith.constant 14 : i32
    %barrier3A = arith.constant 0 : index
    tpu.barrier barrier_id(%barrier3A)
    %mul3A = arith.constant 25000 : i32
    %mul3A_11 = arith.muli %arg0, %mul3A : i32
    %mul3A_12 = arith.constant 50176 : i32
    %mul3A_13 = arith.muli %arg1, %mul3A_12 : i32
    %scan3A_14 = arith.constant 0 : i32
    %scan3A_15 = arith.constant 0 : i32
    %scan3A_16 = arith.constant 392 : i32
    %scan3A_17 = arith.addi %scan3A_15, %scan3A_16 : i32
    %scan3A_18 = arith.constant 1 : i32
    scf.for %scan3A_27 = %scan3A_15 to %scan3A_17 step %scan3A_18  : i32 {
      %mul3A_28 = arith.constant 128 : i32
      %mul3A_29 = arith.muli %scan3A_27, %mul3A_28 : i32
      %add3A = arith.addi %mul3A_13, %mul3A_29 : i32
      %multiple_of3A = tpu.assume_multiple %add3A, 8 : i32
      "tpu.region"() ({
        %run_scoped3A = tpu.sem_alloc : memref<!tpu.dma_semaphore, #tpu.memory_space<semaphore_mem>>
        %dma_start3A_46 = tpu.memref_slice %arg4[%multiple_of3A] : memref<802816xi32, #tpu.memory_space<hbm>> -> memref<128xi32, #tpu.memory_space<hbm>>
        %dma_start3A_47 = tpu.memref_slice %arg4[%multiple_of3A] : memref<802816xi32, #tpu.memory_space<hbm>> -> memref<128xi32, #tpu.memory_space<hbm>>
        tpu.enqueue_dma source(%dma_start3A_47 : memref<128xi32, #tpu.memory_space<hbm>>) target(%arg8 : memref<128xi32, #tpu.memory_space<vmem>>) target_semaphore(%run_scoped3A : memref<!tpu.dma_semaphore, #tpu.memory_space<semaphore_mem>>)
        %dma_wait3A_48 = tpu.memref_slice %arg4[%multiple_of3A] : memref<802816xi32, #tpu.memory_space<hbm>> -> memref<128xi32, #tpu.memory_space<hbm>>
        %dma_wait3A_49 = tpu.memref_slice %arg4[%multiple_of3A] : memref<802816xi32, #tpu.memory_space<hbm>> -> memref<128xi32, #tpu.memory_space<hbm>>
        tpu.wait_dma2 semaphore(%run_scoped3A : memref<!tpu.dma_semaphore, #tpu.memory_space<semaphore_mem>>) src(%dma_wait3A_49 : memref<128xi32, #tpu.memory_space<hbm>>) dst(%arg8 : memref<128xi32, #tpu.memory_space<vmem>>)
        tpu.yield
      }) : () -> ()
      "tpu.region"() ({
        %run_scoped3A = tpu.sem_alloc : memref<!tpu.dma_semaphore, #tpu.memory_space<semaphore_mem>>
        %dma_start3A_46 = tpu.memref_slice %arg5[%multiple_of3A] : memref<802816xi32, #tpu.memory_space<hbm>> -> memref<128xi32, #tpu.memory_space<hbm>>
        %dma_start3A_47 = tpu.memref_slice %arg5[%multiple_of3A] : memref<802816xi32, #tpu.memory_space<hbm>> -> memref<128xi32, #tpu.memory_space<hbm>>
        tpu.enqueue_dma source(%dma_start3A_47 : memref<128xi32, #tpu.memory_space<hbm>>) target(%arg9 : memref<128xi32, #tpu.memory_space<vmem>>) target_semaphore(%run_scoped3A : memref<!tpu.dma_semaphore, #tpu.memory_space<semaphore_mem>>)
        %dma_wait3A_48 = tpu.memref_slice %arg5[%multiple_of3A] : memref<802816xi32, #tpu.memory_space<hbm>> -> memref<128xi32, #tpu.memory_space<hbm>>
        %dma_wait3A_49 = tpu.memref_slice %arg5[%multiple_of3A] : memref<802816xi32, #tpu.memory_space<hbm>> -> memref<128xi32, #tpu.memory_space<hbm>>
        tpu.wait_dma2 semaphore(%run_scoped3A : memref<!tpu.dma_semaphore, #tpu.memory_space<semaphore_mem>>) src(%dma_wait3A_49 : memref<128xi32, #tpu.memory_space<hbm>>) dst(%arg9 : memref<128xi32, #tpu.memory_space<vmem>>)
        tpu.yield
      }) : () -> ()
      %dma_start3A = arith.constant 0 : i32
      %dma_start3A_30 = arith.constant 0 : i32
      %dma_start3A_31 = tpu.memref_slice %arg2[%dma_start3A, %dma_start3A_30] : memref<50000x64xf32, #tpu.memory_space<hbm>> -> memref<50000x64xf32, #tpu.memory_space<hbm>>
      tpu.enqueue_indirect_dma source(%dma_start3A_31 : memref<50000x64xf32, #tpu.memory_space<hbm>>) target(%arg11 : memref<128x64xf32, #tpu.memory_space<vmem>>) offsets(%arg8 : memref<128xi32, #tpu.memory_space<vmem>>) semaphore(%arg14 : memref<!tpu.dma_semaphore, #tpu.memory_space<semaphore_mem>>)
      %dma_wait3A = arith.constant 0 : i32
      %dma_wait3A_32 = arith.constant 0 : i32
      %dma_wait3A_33 = tpu.memref_slice %arg2[%dma_wait3A, %dma_wait3A_32] : memref<50000x64xf32, #tpu.memory_space<hbm>> -> memref<50000x64xf32, #tpu.memory_space<hbm>>
      tpu.wait_indirect_dma semaphore(%arg14 : memref<!tpu.dma_semaphore, #tpu.memory_space<semaphore_mem>>) src(%dma_wait3A_33 : memref<50000x64xf32, #tpu.memory_space<hbm>>) dst(%arg11 : memref<128x64xf32, #tpu.memory_space<vmem>>)
      "tpu.region"() ({
        %run_scoped3A = tpu.sem_alloc : memref<!tpu.dma_semaphore, #tpu.memory_space<semaphore_mem>>
        %dma_start3A_46 = arith.constant 0 : i32
        %dma_start3A_47 = tpu.memref_slice %arg3[%multiple_of3A, %dma_start3A_46] : memref<802816x64xf32, #tpu.memory_space<hbm>> -> memref<128x64xf32, #tpu.memory_space<hbm>>
        %dma_start3A_48 = arith.constant 0 : i32
        %dma_start3A_49 = tpu.memref_slice %arg3[%multiple_of3A, %dma_start3A_48] : memref<802816x64xf32, #tpu.memory_space<hbm>> -> memref<128x64xf32, #tpu.memory_space<hbm>>
        tpu.enqueue_dma source(%dma_start3A_49 : memref<128x64xf32, #tpu.memory_space<hbm>>) target(%arg12 : memref<128x64xf32, #tpu.memory_space<vmem>>) target_semaphore(%run_scoped3A : memref<!tpu.dma_semaphore, #tpu.memory_space<semaphore_mem>>)
        %dma_wait3A_50 = arith.constant 0 : i32
        %dma_wait3A_51 = tpu.memref_slice %arg3[%multiple_of3A, %dma_wait3A_50] : memref<802816x64xf32, #tpu.memory_space<hbm>> -> memref<128x64xf32, #tpu.memory_space<hbm>>
        %dma_wait3A_52 = arith.constant 0 : i32
        %dma_wait3A_53 = tpu.memref_slice %arg3[%multiple_of3A, %dma_wait3A_52] : memref<802816x64xf32, #tpu.memory_space<hbm>> -> memref<128x64xf32, #tpu.memory_space<hbm>>
        tpu.wait_dma2 semaphore(%run_scoped3A : memref<!tpu.dma_semaphore, #tpu.memory_space<semaphore_mem>>) src(%dma_wait3A_53 : memref<128x64xf32, #tpu.memory_space<hbm>>) dst(%arg12 : memref<128x64xf32, #tpu.memory_space<vmem>>)
        tpu.yield
      }) : () -> ()
      %scan3A_34 = arith.constant 0 : i32
      %scan3A_35 = arith.constant 0 : i32
      %scan3A_36 = arith.constant 128 : i32
      %scan3A_37 = arith.addi %scan3A_35, %scan3A_36 : i32
      %scan3A_38 = arith.constant 1 : i32
      scf.for %scan3A_46 = %scan3A_35 to %scan3A_37 step %scan3A_38  : i32 {
        %get3A = arith.index_cast %scan3A_46 : i32 to index
        %get3A_47 = arith.constant 0 : index
        %get3A_48 = tpu.vector_load %arg11[%get3A, %get3A_47] {strides = array<i32>} : memref<128x64xf32, #tpu.memory_space<vmem>>, vector<1x16xf32>,
        %get3A_49 = vector.shape_cast %get3A_48 : vector<1x16xf32> to vector<16xf32>
        %get3A_50 = arith.index_cast %scan3A_46 : i32 to index
        %get3A_51 = arith.constant 0 : index
        %get3A_52 = tpu.vector_load %arg12[%get3A_50, %get3A_51] {strides = array<i32>} : memref<128x64xf32, #tpu.memory_space<vmem>>, vector<1x16xf32>,
        %get3A_53 = vector.shape_cast %get3A_52 : vector<1x16xf32> to vector<16xf32>
        %add3A_54 = arith.addf %get3A_49, %get3A_53 : vector<16xf32>
        %max3A = arith.constant 0.000000e+00 : f32
        %max3A_55 = vector.broadcast %max3A : f32 to vector<16xf32>
        %max3A_56 = arith.maximumf %add3A_54, %max3A_55 : vector<16xf32>
        %swap3A = arith.index_cast %scan3A_46 : i32 to index
        %swap3A_57 = arith.constant 0 : index
        %swap3A_58 = tpu.vector_load %arg11[%swap3A, %swap3A_57] {strides = array<i32>} : memref<128x64xf32, #tpu.memory_space<vmem>>, vector<1x16xf32>,
        %swap3A_59 = vector.shape_cast %swap3A_58 : vector<1x16xf32> to vector<16xf32>
        %swap3A_60 = vector.shape_cast %max3A_56 : vector<16xf32> to vector<1x16xf32>
        tpu.vector_store %arg11[%swap3A, %swap3A_57], %swap3A_60 {strides = array<i32>} : memref<128x64xf32, #tpu.memory_space<vmem>>, vector<1x16xf32>,
        %get3A_61 = arith.index_cast %scan3A_46 : i32 to index
        %get3A_62 = arith.constant 16 : index
        %get3A_63 = tpu.vector_load %arg11[%get3A_61, %get3A_62] {strides = array<i32>} : memref<128x64xf32, #tpu.memory_space<vmem>>, vector<1x16xf32>,
        %get3A_64 = vector.shape_cast %get3A_63 : vector<1x16xf32> to vector<16xf32>
        %get3A_65 = arith.index_cast %scan3A_46 : i32 to index
        %get3A_66 = arith.constant 16 : index
        %get3A_67 = tpu.vector_load %arg12[%get3A_65, %get3A_66] {strides = array<i32>} : memref<128x64xf32, #tpu.memory_space<vmem>>, vector<1x16xf32>,
        %get3A_68 = vector.shape_cast %get3A_67 : vector<1x16xf32> to vector<16xf32>
        %add3A_69 = arith.addf %get3A_64, %get3A_68 : vector<16xf32>
        %max3A_70 = arith.constant 0.000000e+00 : f32
        %max3A_71 = vector.broadcast %max3A_70 : f32 to vector<16xf32>
        %max3A_72 = arith.maximumf %add3A_69, %max3A_71 : vector<16xf32>
        %swap3A_73 = arith.index_cast %scan3A_46 : i32 to index
        %swap3A_74 = arith.constant 16 : index
        %swap3A_75 = tpu.vector_load %arg11[%swap3A_73, %swap3A_74] {strides = array<i32>} : memref<128x64xf32, #tpu.memory_space<vmem>>, vector<1x16xf32>,
        %swap3A_76 = vector.shape_cast %swap3A_75 : vector<1x16xf32> to vector<16xf32>
        %swap3A_77 = vector.shape_cast %max3A_72 : vector<16xf32> to vector<1x16xf32>
        tpu.vector_store %arg11[%swap3A_73, %swap3A_74], %swap3A_77 {strides = array<i32>} : memref<128x64xf32, #tpu.memory_space<vmem>>, vector<1x16xf32>,
        %get3A_78 = arith.index_cast %scan3A_46 : i32 to index
        %get3A_79 = arith.constant 32 : index
        %get3A_80 = tpu.vector_load %arg11[%get3A_78, %get3A_79] {strides = array<i32>} : memref<128x64xf32, #tpu.memory_space<vmem>>, vector<1x16xf32>,
        %get3A_81 = vector.shape_cast %get3A_80 : vector<1x16xf32> to vector<16xf32>
        %get3A_82 = arith.index_cast %scan3A_46 : i32 to index
        %get3A_83 = arith.constant 32 : index
        %get3A_84 = tpu.vector_load %arg12[%get3A_82, %get3A_83] {strides = array<i32>} : memref<128x64xf32, #tpu.memory_space<vmem>>, vector<1x16xf32>,
        %get3A_85 = vector.shape_cast %get3A_84 : vector<1x16xf32> to vector<16xf32>
        %add3A_86 = arith.addf %get3A_81, %get3A_85 : vector<16xf32>
        %max3A_87 = arith.constant 0.000000e+00 : f32
        %max3A_88 = vector.broadcast %max3A_87 : f32 to vector<16xf32>
        %max3A_89 = arith.maximumf %add3A_86, %max3A_88 : vector<16xf32>
        %swap3A_90 = arith.index_cast %scan3A_46 : i32 to index
        %swap3A_91 = arith.constant 32 : index
        %swap3A_92 = tpu.vector_load %arg11[%swap3A_90, %swap3A_91] {strides = array<i32>} : memref<128x64xf32, #tpu.memory_space<vmem>>, vector<1x16xf32>,
        %swap3A_93 = vector.shape_cast %swap3A_92 : vector<1x16xf32> to vector<16xf32>
        %swap3A_94 = vector.shape_cast %max3A_89 : vector<16xf32> to vector<1x16xf32>
        tpu.vector_store %arg11[%swap3A_90, %swap3A_91], %swap3A_94 {strides = array<i32>} : memref<128x64xf32, #tpu.memory_space<vmem>>, vector<1x16xf32>,
        %get3A_95 = arith.index_cast %scan3A_46 : i32 to index
        %get3A_96 = arith.constant 48 : index
        %get3A_97 = tpu.vector_load %arg11[%get3A_95, %get3A_96] {strides = array<i32>} : memref<128x64xf32, #tpu.memory_space<vmem>>, vector<1x16xf32>,
        %get3A_98 = vector.shape_cast %get3A_97 : vector<1x16xf32> to vector<16xf32>
        %get3A_99 = arith.index_cast %scan3A_46 : i32 to index
        %get3A_100 = arith.constant 48 : index
        %get3A_101 = tpu.vector_load %arg12[%get3A_99, %get3A_100] {strides = array<i32>} : memref<128x64xf32, #tpu.memory_space<vmem>>, vector<1x16xf32>,
        %get3A_102 = vector.shape_cast %get3A_101 : vector<1x16xf32> to vector<16xf32>
        %add3A_103 = arith.addf %get3A_98, %get3A_102 : vector<16xf32>
        %max3A_104 = arith.constant 0.000000e+00 : f32
        %max3A_105 = vector.broadcast %max3A_104 : f32 to vector<16xf32>
        %max3A_106 = arith.maximumf %add3A_103, %max3A_105 : vector<16xf32>
        %swap3A_107 = arith.index_cast %scan3A_46 : i32 to index
        %swap3A_108 = arith.constant 48 : index
        %swap3A_109 = tpu.vector_load %arg11[%swap3A_107, %swap3A_108] {strides = array<i32>} : memref<128x64xf32, #tpu.memory_space<vmem>>, vector<1x16xf32>,
        %swap3A_110 = vector.shape_cast %swap3A_109 : vector<1x16xf32> to vector<16xf32>
        %swap3A_111 = vector.shape_cast %max3A_106 : vector<16xf32> to vector<1x16xf32>
        tpu.vector_store %arg11[%swap3A_107, %swap3A_108], %swap3A_111 {strides = array<i32>} : memref<128x64xf32, #tpu.memory_space<vmem>>, vector<1x16xf32>,
      }
      %scan3A_39 = arith.constant 128 : i32
      %scan3A_40 = arith.constant 0 : i32
      %scan3A_41 = arith.constant 0 : i32
      %scan3A_42 = arith.constant 8 : i32
      %scan3A_43 = arith.addi %scan3A_41, %scan3A_42 : i32
      %scan3A_44 = arith.constant 1 : i32
      scf.for %scan3A_46 = %scan3A_41 to %scan3A_43 step %scan3A_44  : i32 {
        %mul3A_47 = arith.constant 16 : i32
        %mul3A_48 = arith.muli %scan3A_46, %mul3A_47 : i32
        %get3A = arith.index_cast %mul3A_48 : i32 to index
        %get3A_49 = tpu.vector_load %arg9[%get3A] {strides = array<i32>} : memref<128xi32, #tpu.memory_space<vmem>>, vector<16xi32>,
        %get3A_50 = vector.shape_cast %get3A_49 : vector<16xi32> to vector<16xi32>
        %sub3A = vector.broadcast %mul3A_11 : i32 to vector<16xi32>
        %sub3A_51 = arith.subi %get3A_50, %sub3A : vector<16xi32>
        %ge3A = arith.constant 0 : i32
        %ge3A_52 = vector.broadcast %ge3A : i32 to vector<16xi32>
        %ge3A_53 = arith.cmpi sge, %sub3A_51, %ge3A_52 : vector<16xi32>
        %lt3A = arith.constant 25000 : i32
        %lt3A_54 = vector.broadcast %lt3A : i32 to vector<16xi32>
        %lt3A_55 = arith.cmpi slt, %sub3A_51, %lt3A_54 : vector<16xi32>
        %and3A = arith.andi %ge3A_53, %lt3A_55 : vector<16xi1>
        %jit3A = arith.constant 25000 : i32
        %broadcast_in_dim3A = vector.broadcast %jit3A : i32 to vector<16xi32>
        %select_n3A = arith.select %and3A, %sub3A_51, %broadcast_in_dim3A : vector<16xi1>, vector<16xi32>
        %mul3A_56 = arith.constant 16 : i32
        %mul3A_57 = arith.muli %scan3A_46, %mul3A_56 : i32
        %swap3A = arith.index_cast %mul3A_57 : i32 to index
        %swap3A_58 = tpu.vector_load %arg10[%swap3A] {strides = array<i32>} : memref<128xi32, #tpu.memory_space<vmem>>, vector<16xi32>,
        %swap3A_59 = vector.shape_cast %swap3A_58 : vector<16xi32> to vector<16xi32>
        %swap3A_60 = vector.shape_cast %select_n3A : vector<16xi32> to vector<16xi32>
        tpu.vector_store %arg10[%swap3A], %swap3A_60 {strides = array<i32>} : memref<128xi32, #tpu.memory_space<vmem>>, vector<16xi32>,
      }
      %scan3A_45 = arith.constant 8 : i32
      "tpu.region"() ({
        %run_scoped3A = tpu.sem_alloc : memref<!tpu.dma_semaphore, #tpu.memory_space<semaphore_mem>>
        %dma_start3A_46 = arith.constant 0 : i32
        %dma_start3A_47 = arith.constant 0 : i32
        %dma_start3A_48 = tpu.memref_slice %arg7[%dma_start3A_46, %dma_start3A_47] : memref<25088x64xf32, #tpu.memory_space<vmem_shared>> -> memref<25088x64xf32, #tpu.memory_space<vmem_shared>>
        tpu.enqueue_indirect_dma source(%arg11 : memref<128x64xf32, #tpu.memory_space<vmem>>) target(%dma_start3A_48 : memref<25088x64xf32, #tpu.memory_space<vmem_shared>>) offsets(%arg10 : memref<128xi32, #tpu.memory_space<vmem>>) semaphore(%run_scoped3A : memref<!tpu.dma_semaphore, #tpu.memory_space<semaphore_mem>>) {add = true}
        %dma_wait3A_49 = arith.constant 0 : i32
        %dma_wait3A_50 = arith.constant 0 : i32
        %dma_wait3A_51 = tpu.memref_slice %arg7[%dma_wait3A_49, %dma_wait3A_50] : memref<25088x64xf32, #tpu.memory_space<vmem_shared>> -> memref<25088x64xf32, #tpu.memory_space<vmem_shared>>
        tpu.wait_indirect_dma semaphore(%run_scoped3A : memref<!tpu.dma_semaphore, #tpu.memory_space<semaphore_mem>>) src(%arg11 : memref<128x64xf32, #tpu.memory_space<vmem>>) dst(%dma_wait3A_51 : memref<25088x64xf32, #tpu.memory_space<vmem_shared>>)
        tpu.yield
      }) : () -> ()
    }
    %scan3A_19 = arith.constant 392 : i32
    %barrier3A_20 = arith.constant 0 : index
    tpu.barrier barrier_id(%barrier3A_20)
    %scan3A_21 = arith.constant 0 : i32
    %scan3A_22 = arith.constant 0 : i32
    %scan3A_23 = arith.constant 2 : i32
    %scan3A_24 = arith.addi %scan3A_22, %scan3A_23 : i32
    %scan3A_25 = arith.constant 1 : i32
    scf.for %scan3A_27 = %scan3A_22 to %scan3A_24 step %scan3A_25  : i32 {
      %mul3A_28 = arith.constant 16 : i32
      %mul3A_29 = arith.muli %scan3A_27, %mul3A_28 : i32
      %add3A = arith.addi %arg1, %mul3A_29 : i32
      %lt3A = arith.constant 25 : i32
      %lt3A_30 = arith.cmpi slt, %add3A, %lt3A : i32
      %convert_element_type3A = arith.extui %lt3A_30 : i1 to i32
      %cond3A = arith.constant 0 : i32
      %cond3A_31 = arith.cmpi ne, %convert_element_type3A, %cond3A : i32
      scf.if %cond3A_31 {
        %mul3A_32 = arith.constant 1000 : i32
        %mul3A_33 = arith.muli %add3A, %mul3A_32 : i32
        %multiple_of3A = tpu.assume_multiple %mul3A_33, 8 : i32
        %add3A_34 = arith.addi %mul3A_11, %multiple_of3A : i32
        "tpu.region"() ({
          %run_scoped3A = tpu.sem_alloc : memref<!tpu.dma_semaphore, #tpu.memory_space<semaphore_mem>>
          %dma_start3A = arith.constant 0 : i32
          %dma_start3A_35 = tpu.memref_slice %arg6[%add3A_34, %dma_start3A] : memref<50000x64xf32, #tpu.memory_space<hbm>> -> memref<1000x64xf32, #tpu.memory_space<hbm>>
          %dma_start3A_36 = arith.constant 0 : i32
          %dma_start3A_37 = tpu.memref_slice %arg7[%multiple_of3A, %dma_start3A_36] : memref<25088x64xf32, #tpu.memory_space<vmem_shared>> -> memref<1000x64xf32, #tpu.memory_space<vmem_shared>>
          tpu.enqueue_dma source(%dma_start3A_37 : memref<1000x64xf32, #tpu.memory_space<vmem_shared>>) target(%dma_start3A_35 : memref<1000x64xf32, #tpu.memory_space<hbm>>) target_semaphore(%run_scoped3A : memref<!tpu.dma_semaphore, #tpu.memory_space<semaphore_mem>>)
          %dma_wait3A = arith.constant 0 : i32
          %dma_wait3A_38 = tpu.memref_slice %arg6[%add3A_34, %dma_wait3A] : memref<50000x64xf32, #tpu.memory_space<hbm>> -> memref<1000x64xf32, #tpu.memory_space<hbm>>
          %dma_wait3A_39 = arith.constant 0 : i32
          %dma_wait3A_40 = tpu.memref_slice %arg7[%multiple_of3A, %dma_wait3A_39] : memref<25088x64xf32, #tpu.memory_space<vmem_shared>> -> memref<1000x64xf32, #tpu.memory_space<vmem_shared>>
          tpu.wait_dma2 semaphore(%run_scoped3A : memref<!tpu.dma_semaphore, #tpu.memory_space<semaphore_mem>>) src(%dma_wait3A_40 : memref<1000x64xf32, #tpu.memory_space<vmem_shared>>) dst(%dma_wait3A_38 : memref<1000x64xf32, #tpu.memory_space<hbm>>)
          tpu.yield
        }) : () -> ()
      } else {
      }
    }
    %scan3A_26 = arith.constant 2 : i32
    return
  }
}

#map = affine_map<(d0, d1) -> (0, 0)>
#map1 = affine_map<(d0, d1) -> (0)>
module attributes {stable_mosaic.version = 14 : i64} {
  func.func @_aggr_sc_body(%arg0: i32, %arg1: i32, %arg2: memref<50000x64xf32, #tpu.memory_space<hbm>>, %arg3: memref<802816x64xf32, #tpu.memory_space<hbm>>, %arg4: memref<802816xi32, #tpu.memory_space<hbm>>, %arg5: memref<802816xi32, #tpu.memory_space<hbm>>, %arg6: memref<50000x64xf32, #tpu.memory_space<hbm>>, %arg7: memref<25088x64xf32, #tpu.memory_space<vmem_shared>>, %arg8: memref<128xi32, #tpu.memory_space<vmem>>, %arg9: memref<128xi32, #tpu.memory_space<vmem>>, %arg10: memref<128xi32, #tpu.memory_space<vmem>>, %arg11: memref<128x64xf32, #tpu.memory_space<vmem>>, %arg12: memref<128x64xf32, #tpu.memory_space<vmem>>, %arg13: memref<112x64xf32, #tpu.memory_space<vmem>>, %arg14: memref<!tpu.dma_semaphore, #tpu.memory_space<semaphore_mem>>) attributes {dimension_semantics = [#tpu.dimension_semantics<core_parallel>, #tpu.dimension_semantics<subcore_parallel>], iteration_bounds = array<i64: 2, 16>, scalar_prefetch = 0 : i64, scratch_operands = 8 : i64, tpu.core_type = #tpu.core_type<sc_vector_subcore>, window_params = [{transform_indices = #map}, {transform_indices = #map}, {transform_indices = #map1}, {transform_indices = #map1}, {transform_indices = #map}]} {
    %scan3A = arith.constant 0 : i32
    %scan3A_0 = arith.constant 0 : i32
    %scan3A_1 = arith.constant 112 : i32
    %scan3A_2 = arith.addi %scan3A_0, %scan3A_1 : i32
    %scan3A_3 = arith.constant 1 : i32
    scf.for %scan3A_27 = %scan3A_0 to %scan3A_2 step %scan3A_3  : i32 {
      %broadcast_in_dim3A = arith.constant 0.000000e+00 : f32
      %broadcast_in_dim3A_28 = vector.broadcast %broadcast_in_dim3A : f32 to vector<16xf32>
      %swap3A = arith.index_cast %scan3A_27 : i32 to index
      %swap3A_29 = arith.constant 0 : index
      %swap3A_30 = tpu.vector_load %arg13[%swap3A, %swap3A_29] {strides = array<i32>} : memref<112x64xf32, #tpu.memory_space<vmem>>, vector<1x16xf32>,
      %swap3A_31 = vector.shape_cast %swap3A_30 : vector<1x16xf32> to vector<16xf32>
      %swap3A_32 = vector.shape_cast %broadcast_in_dim3A_28 : vector<16xf32> to vector<1x16xf32>
      tpu.vector_store %arg13[%swap3A, %swap3A_29], %swap3A_32 {strides = array<i32>} : memref<112x64xf32, #tpu.memory_space<vmem>>, vector<1x16xf32>,
      %broadcast_in_dim3A_33 = arith.constant 0.000000e+00 : f32
      %broadcast_in_dim3A_34 = vector.broadcast %broadcast_in_dim3A_33 : f32 to vector<16xf32>
      %swap3A_35 = arith.index_cast %scan3A_27 : i32 to index
      %swap3A_36 = arith.constant 16 : index
      %swap3A_37 = tpu.vector_load %arg13[%swap3A_35, %swap3A_36] {strides = array<i32>} : memref<112x64xf32, #tpu.memory_space<vmem>>, vector<1x16xf32>,
      %swap3A_38 = vector.shape_cast %swap3A_37 : vector<1x16xf32> to vector<16xf32>
      %swap3A_39 = vector.shape_cast %broadcast_in_dim3A_34 : vector<16xf32> to vector<1x16xf32>
      tpu.vector_store %arg13[%swap3A_35, %swap3A_36], %swap3A_39 {strides = array<i32>} : memref<112x64xf32, #tpu.memory_space<vmem>>, vector<1x16xf32>,
      %broadcast_in_dim3A_40 = arith.constant 0.000000e+00 : f32
      %broadcast_in_dim3A_41 = vector.broadcast %broadcast_in_dim3A_40 : f32 to vector<16xf32>
      %swap3A_42 = arith.index_cast %scan3A_27 : i32 to index
      %swap3A_43 = arith.constant 32 : index
      %swap3A_44 = tpu.vector_load %arg13[%swap3A_42, %swap3A_43] {strides = array<i32>} : memref<112x64xf32, #tpu.memory_space<vmem>>, vector<1x16xf32>,
      %swap3A_45 = vector.shape_cast %swap3A_44 : vector<1x16xf32> to vector<16xf32>
      %swap3A_46 = vector.shape_cast %broadcast_in_dim3A_41 : vector<16xf32> to vector<1x16xf32>
      tpu.vector_store %arg13[%swap3A_42, %swap3A_43], %swap3A_46 {strides = array<i32>} : memref<112x64xf32, #tpu.memory_space<vmem>>, vector<1x16xf32>,
      %broadcast_in_dim3A_47 = arith.constant 0.000000e+00 : f32
      %broadcast_in_dim3A_48 = vector.broadcast %broadcast_in_dim3A_47 : f32 to vector<16xf32>
      %swap3A_49 = arith.index_cast %scan3A_27 : i32 to index
      %swap3A_50 = arith.constant 48 : index
      %swap3A_51 = tpu.vector_load %arg13[%swap3A_49, %swap3A_50] {strides = array<i32>} : memref<112x64xf32, #tpu.memory_space<vmem>>, vector<1x16xf32>,
      %swap3A_52 = vector.shape_cast %swap3A_51 : vector<1x16xf32> to vector<16xf32>
      %swap3A_53 = vector.shape_cast %broadcast_in_dim3A_48 : vector<16xf32> to vector<1x16xf32>
      tpu.vector_store %arg13[%swap3A_49, %swap3A_50], %swap3A_53 {strides = array<i32>} : memref<112x64xf32, #tpu.memory_space<vmem>>, vector<1x16xf32>,
    }
    %scan3A_4 = arith.constant 112 : i32
    %scan3A_5 = arith.constant 0 : i32
    %scan3A_6 = arith.constant 0 : i32
    %scan3A_7 = arith.constant 14 : i32
    %scan3A_8 = arith.addi %scan3A_6, %scan3A_7 : i32
    %scan3A_9 = arith.constant 1 : i32
    scf.for %scan3A_27 = %scan3A_6 to %scan3A_8 step %scan3A_9  : i32 {
      %mul3A_28 = arith.constant 14 : i32
      %mul3A_29 = arith.muli %arg1, %mul3A_28 : i32
      %add3A = arith.addi %mul3A_29, %scan3A_27 : i32
      %mul3A_30 = arith.constant 112 : i32
      %mul3A_31 = arith.muli %add3A, %mul3A_30 : i32
      %multiple_of3A = tpu.assume_multiple %mul3A_31, 8 : i32
      "tpu.region"() ({
        %run_scoped3A = tpu.sem_alloc : memref<!tpu.dma_semaphore, #tpu.memory_space<semaphore_mem>>
        %dma_start3A = arith.constant 0 : i32
        %dma_start3A_32 = tpu.memref_slice %arg7[%multiple_of3A, %dma_start3A] : memref<25088x64xf32, #tpu.memory_space<vmem_shared>> -> memref<112x64xf32, #tpu.memory_space<vmem_shared>>
        %dma_start3A_33 = arith.constant 0 : i32
        %dma_start3A_34 = tpu.memref_slice %arg7[%multiple_of3A, %dma_start3A_33] : memref<25088x64xf32, #tpu.memory_space<vmem_shared>> -> memref<112x64xf32, #tpu.memory_space<vmem_shared>>
        tpu.enqueue_dma source(%arg13 : memref<112x64xf32, #tpu.memory_space<vmem>>) target(%dma_start3A_34 : memref<112x64xf32, #tpu.memory_space<vmem_shared>>) target_semaphore(%run_scoped3A : memref<!tpu.dma_semaphore, #tpu.memory_space<semaphore_mem>>)
        %dma_wait3A = arith.constant 0 : i32
        %dma_wait3A_35 = tpu.memref_slice %arg7[%multiple_of3A, %dma_wait3A] : memref<25088x64xf32, #tpu.memory_space<vmem_shared>> -> memref<112x64xf32, #tpu.memory_space<vmem_shared>>
        %dma_wait3A_36 = arith.constant 0 : i32
        %dma_wait3A_37 = tpu.memref_slice %arg7[%multiple_of3A, %dma_wait3A_36] : memref<25088x64xf32, #tpu.memory_space<vmem_shared>> -> memref<112x64xf32, #tpu.memory_space<vmem_shared>>
        tpu.wait_dma2 semaphore(%run_scoped3A : memref<!tpu.dma_semaphore, #tpu.memory_space<semaphore_mem>>) src(%arg13 : memref<112x64xf32, #tpu.memory_space<vmem>>) dst(%dma_wait3A_37 : memref<112x64xf32, #tpu.memory_space<vmem_shared>>)
        tpu.yield
      }) : () -> ()
    }
    %scan3A_10 = arith.constant 14 : i32
    %barrier3A = arith.constant 0 : index
    tpu.barrier barrier_id(%barrier3A)
    %mul3A = arith.constant 25000 : i32
    %mul3A_11 = arith.muli %arg0, %mul3A : i32
    %mul3A_12 = arith.constant 50176 : i32
    %mul3A_13 = arith.muli %arg1, %mul3A_12 : i32
    %scan3A_14 = arith.constant 0 : i32
    %scan3A_15 = arith.constant 0 : i32
    %scan3A_16 = arith.constant 392 : i32
    %scan3A_17 = arith.addi %scan3A_15, %scan3A_16 : i32
    %scan3A_18 = arith.constant 1 : i32
    scf.for %scan3A_27 = %scan3A_15 to %scan3A_17 step %scan3A_18  : i32 {
      %mul3A_28 = arith.constant 128 : i32
      %mul3A_29 = arith.muli %scan3A_27, %mul3A_28 : i32
      %add3A = arith.addi %mul3A_13, %mul3A_29 : i32
      %multiple_of3A = tpu.assume_multiple %add3A, 8 : i32
      "tpu.region"() ({
        %run_scoped3A = tpu.sem_alloc : memref<!tpu.dma_semaphore, #tpu.memory_space<semaphore_mem>>
        %dma_start3A_46 = tpu.memref_slice %arg4[%multiple_of3A] : memref<802816xi32, #tpu.memory_space<hbm>> -> memref<128xi32, #tpu.memory_space<hbm>>
        %dma_start3A_47 = tpu.memref_slice %arg4[%multiple_of3A] : memref<802816xi32, #tpu.memory_space<hbm>> -> memref<128xi32, #tpu.memory_space<hbm>>
        tpu.enqueue_dma source(%dma_start3A_47 : memref<128xi32, #tpu.memory_space<hbm>>) target(%arg8 : memref<128xi32, #tpu.memory_space<vmem>>) target_semaphore(%run_scoped3A : memref<!tpu.dma_semaphore, #tpu.memory_space<semaphore_mem>>)
        %dma_wait3A_48 = tpu.memref_slice %arg4[%multiple_of3A] : memref<802816xi32, #tpu.memory_space<hbm>> -> memref<128xi32, #tpu.memory_space<hbm>>
        %dma_wait3A_49 = tpu.memref_slice %arg4[%multiple_of3A] : memref<802816xi32, #tpu.memory_space<hbm>> -> memref<128xi32, #tpu.memory_space<hbm>>
        tpu.wait_dma2 semaphore(%run_scoped3A : memref<!tpu.dma_semaphore, #tpu.memory_space<semaphore_mem>>) src(%dma_wait3A_49 : memref<128xi32, #tpu.memory_space<hbm>>) dst(%arg8 : memref<128xi32, #tpu.memory_space<vmem>>)
        tpu.yield
      }) : () -> ()
      "tpu.region"() ({
        %run_scoped3A = tpu.sem_alloc : memref<!tpu.dma_semaphore, #tpu.memory_space<semaphore_mem>>
        %dma_start3A_46 = tpu.memref_slice %arg5[%multiple_of3A] : memref<802816xi32, #tpu.memory_space<hbm>> -> memref<128xi32, #tpu.memory_space<hbm>>
        %dma_start3A_47 = tpu.memref_slice %arg5[%multiple_of3A] : memref<802816xi32, #tpu.memory_space<hbm>> -> memref<128xi32, #tpu.memory_space<hbm>>
        tpu.enqueue_dma source(%dma_start3A_47 : memref<128xi32, #tpu.memory_space<hbm>>) target(%arg9 : memref<128xi32, #tpu.memory_space<vmem>>) target_semaphore(%run_scoped3A : memref<!tpu.dma_semaphore, #tpu.memory_space<semaphore_mem>>)
        %dma_wait3A_48 = tpu.memref_slice %arg5[%multiple_of3A] : memref<802816xi32, #tpu.memory_space<hbm>> -> memref<128xi32, #tpu.memory_space<hbm>>
        %dma_wait3A_49 = tpu.memref_slice %arg5[%multiple_of3A] : memref<802816xi32, #tpu.memory_space<hbm>> -> memref<128xi32, #tpu.memory_space<hbm>>
        tpu.wait_dma2 semaphore(%run_scoped3A : memref<!tpu.dma_semaphore, #tpu.memory_space<semaphore_mem>>) src(%dma_wait3A_49 : memref<128xi32, #tpu.memory_space<hbm>>) dst(%arg9 : memref<128xi32, #tpu.memory_space<vmem>>)
        tpu.yield
      }) : () -> ()
      %dma_start3A = arith.constant 0 : i32
      %dma_start3A_30 = arith.constant 0 : i32
      %dma_start3A_31 = tpu.memref_slice %arg2[%dma_start3A, %dma_start3A_30] : memref<50000x64xf32, #tpu.memory_space<hbm>> -> memref<50000x64xf32, #tpu.memory_space<hbm>>
      tpu.enqueue_indirect_dma source(%dma_start3A_31 : memref<50000x64xf32, #tpu.memory_space<hbm>>) target(%arg11 : memref<128x64xf32, #tpu.memory_space<vmem>>) offsets(%arg8 : memref<128xi32, #tpu.memory_space<vmem>>) semaphore(%arg14 : memref<!tpu.dma_semaphore, #tpu.memory_space<semaphore_mem>>)
      %dma_wait3A = arith.constant 0 : i32
      %dma_wait3A_32 = arith.constant 0 : i32
      %dma_wait3A_33 = tpu.memref_slice %arg2[%dma_wait3A, %dma_wait3A_32] : memref<50000x64xf32, #tpu.memory_space<hbm>> -> memref<50000x64xf32, #tpu.memory_space<hbm>>
      tpu.wait_indirect_dma semaphore(%arg14 : memref<!tpu.dma_semaphore, #tpu.memory_space<semaphore_mem>>) src(%dma_wait3A_33 : memref<50000x64xf32, #tpu.memory_space<hbm>>) dst(%arg11 : memref<128x64xf32, #tpu.memory_space<vmem>>)
      "tpu.region"() ({
        %run_scoped3A = tpu.sem_alloc : memref<!tpu.dma_semaphore, #tpu.memory_space<semaphore_mem>>
        %dma_start3A_46 = arith.constant 0 : i32
        %dma_start3A_47 = tpu.memref_slice %arg3[%multiple_of3A, %dma_start3A_46] : memref<802816x64xf32, #tpu.memory_space<hbm>> -> memref<128x64xf32, #tpu.memory_space<hbm>>
        %dma_start3A_48 = arith.constant 0 : i32
        %dma_start3A_49 = tpu.memref_slice %arg3[%multiple_of3A, %dma_start3A_48] : memref<802816x64xf32, #tpu.memory_space<hbm>> -> memref<128x64xf32, #tpu.memory_space<hbm>>
        tpu.enqueue_dma source(%dma_start3A_49 : memref<128x64xf32, #tpu.memory_space<hbm>>) target(%arg12 : memref<128x64xf32, #tpu.memory_space<vmem>>) target_semaphore(%run_scoped3A : memref<!tpu.dma_semaphore, #tpu.memory_space<semaphore_mem>>)
        %dma_wait3A_50 = arith.constant 0 : i32
        %dma_wait3A_51 = tpu.memref_slice %arg3[%multiple_of3A, %dma_wait3A_50] : memref<802816x64xf32, #tpu.memory_space<hbm>> -> memref<128x64xf32, #tpu.memory_space<hbm>>
        %dma_wait3A_52 = arith.constant 0 : i32
        %dma_wait3A_53 = tpu.memref_slice %arg3[%multiple_of3A, %dma_wait3A_52] : memref<802816x64xf32, #tpu.memory_space<hbm>> -> memref<128x64xf32, #tpu.memory_space<hbm>>
        tpu.wait_dma2 semaphore(%run_scoped3A : memref<!tpu.dma_semaphore, #tpu.memory_space<semaphore_mem>>) src(%dma_wait3A_53 : memref<128x64xf32, #tpu.memory_space<hbm>>) dst(%arg12 : memref<128x64xf32, #tpu.memory_space<vmem>>)
        tpu.yield
      }) : () -> ()
      %scan3A_34 = arith.constant 0 : i32
      %scan3A_35 = arith.constant 0 : i32
      %scan3A_36 = arith.constant 128 : i32
      %scan3A_37 = arith.addi %scan3A_35, %scan3A_36 : i32
      %scan3A_38 = arith.constant 1 : i32
      scf.for %scan3A_46 = %scan3A_35 to %scan3A_37 step %scan3A_38  : i32 {
        %get3A = arith.index_cast %scan3A_46 : i32 to index
        %get3A_47 = arith.constant 0 : index
        %get3A_48 = tpu.vector_load %arg11[%get3A, %get3A_47] {strides = array<i32>} : memref<128x64xf32, #tpu.memory_space<vmem>>, vector<1x16xf32>,
        %get3A_49 = vector.shape_cast %get3A_48 : vector<1x16xf32> to vector<16xf32>
        %get3A_50 = arith.index_cast %scan3A_46 : i32 to index
        %get3A_51 = arith.constant 0 : index
        %get3A_52 = tpu.vector_load %arg12[%get3A_50, %get3A_51] {strides = array<i32>} : memref<128x64xf32, #tpu.memory_space<vmem>>, vector<1x16xf32>,
        %get3A_53 = vector.shape_cast %get3A_52 : vector<1x16xf32> to vector<16xf32>
        %add3A_54 = arith.addf %get3A_49, %get3A_53 : vector<16xf32>
        %max3A = arith.constant 0.000000e+00 : f32
        %max3A_55 = vector.broadcast %max3A : f32 to vector<16xf32>
        %max3A_56 = arith.maximumf %add3A_54, %max3A_55 : vector<16xf32>
        %swap3A = arith.index_cast %scan3A_46 : i32 to index
        %swap3A_57 = arith.constant 0 : index
        %swap3A_58 = tpu.vector_load %arg11[%swap3A, %swap3A_57] {strides = array<i32>} : memref<128x64xf32, #tpu.memory_space<vmem>>, vector<1x16xf32>,
        %swap3A_59 = vector.shape_cast %swap3A_58 : vector<1x16xf32> to vector<16xf32>
        %swap3A_60 = vector.shape_cast %max3A_56 : vector<16xf32> to vector<1x16xf32>
        tpu.vector_store %arg11[%swap3A, %swap3A_57], %swap3A_60 {strides = array<i32>} : memref<128x64xf32, #tpu.memory_space<vmem>>, vector<1x16xf32>,
        %get3A_61 = arith.index_cast %scan3A_46 : i32 to index
        %get3A_62 = arith.constant 16 : index
        %get3A_63 = tpu.vector_load %arg11[%get3A_61, %get3A_62] {strides = array<i32>} : memref<128x64xf32, #tpu.memory_space<vmem>>, vector<1x16xf32>,
        %get3A_64 = vector.shape_cast %get3A_63 : vector<1x16xf32> to vector<16xf32>
        %get3A_65 = arith.index_cast %scan3A_46 : i32 to index
        %get3A_66 = arith.constant 16 : index
        %get3A_67 = tpu.vector_load %arg12[%get3A_65, %get3A_66] {strides = array<i32>} : memref<128x64xf32, #tpu.memory_space<vmem>>, vector<1x16xf32>,
        %get3A_68 = vector.shape_cast %get3A_67 : vector<1x16xf32> to vector<16xf32>
        %add3A_69 = arith.addf %get3A_64, %get3A_68 : vector<16xf32>
        %max3A_70 = arith.constant 0.000000e+00 : f32
        %max3A_71 = vector.broadcast %max3A_70 : f32 to vector<16xf32>
        %max3A_72 = arith.maximumf %add3A_69, %max3A_71 : vector<16xf32>
        %swap3A_73 = arith.index_cast %scan3A_46 : i32 to index
        %swap3A_74 = arith.constant 16 : index
        %swap3A_75 = tpu.vector_load %arg11[%swap3A_73, %swap3A_74] {strides = array<i32>} : memref<128x64xf32, #tpu.memory_space<vmem>>, vector<1x16xf32>,
        %swap3A_76 = vector.shape_cast %swap3A_75 : vector<1x16xf32> to vector<16xf32>
        %swap3A_77 = vector.shape_cast %max3A_72 : vector<16xf32> to vector<1x16xf32>
        tpu.vector_store %arg11[%swap3A_73, %swap3A_74], %swap3A_77 {strides = array<i32>} : memref<128x64xf32, #tpu.memory_space<vmem>>, vector<1x16xf32>,
        %get3A_78 = arith.index_cast %scan3A_46 : i32 to index
        %get3A_79 = arith.constant 32 : index
        %get3A_80 = tpu.vector_load %arg11[%get3A_78, %get3A_79] {strides = array<i32>} : memref<128x64xf32, #tpu.memory_space<vmem>>, vector<1x16xf32>,
        %get3A_81 = vector.shape_cast %get3A_80 : vector<1x16xf32> to vector<16xf32>
        %get3A_82 = arith.index_cast %scan3A_46 : i32 to index
        %get3A_83 = arith.constant 32 : index
        %get3A_84 = tpu.vector_load %arg12[%get3A_82, %get3A_83] {strides = array<i32>} : memref<128x64xf32, #tpu.memory_space<vmem>>, vector<1x16xf32>,
        %get3A_85 = vector.shape_cast %get3A_84 : vector<1x16xf32> to vector<16xf32>
        %add3A_86 = arith.addf %get3A_81, %get3A_85 : vector<16xf32>
        %max3A_87 = arith.constant 0.000000e+00 : f32
        %max3A_88 = vector.broadcast %max3A_87 : f32 to vector<16xf32>
        %max3A_89 = arith.maximumf %add3A_86, %max3A_88 : vector<16xf32>
        %swap3A_90 = arith.index_cast %scan3A_46 : i32 to index
        %swap3A_91 = arith.constant 32 : index
        %swap3A_92 = tpu.vector_load %arg11[%swap3A_90, %swap3A_91] {strides = array<i32>} : memref<128x64xf32, #tpu.memory_space<vmem>>, vector<1x16xf32>,
        %swap3A_93 = vector.shape_cast %swap3A_92 : vector<1x16xf32> to vector<16xf32>
        %swap3A_94 = vector.shape_cast %max3A_89 : vector<16xf32> to vector<1x16xf32>
        tpu.vector_store %arg11[%swap3A_90, %swap3A_91], %swap3A_94 {strides = array<i32>} : memref<128x64xf32, #tpu.memory_space<vmem>>, vector<1x16xf32>,
        %get3A_95 = arith.index_cast %scan3A_46 : i32 to index
        %get3A_96 = arith.constant 48 : index
        %get3A_97 = tpu.vector_load %arg11[%get3A_95, %get3A_96] {strides = array<i32>} : memref<128x64xf32, #tpu.memory_space<vmem>>, vector<1x16xf32>,
        %get3A_98 = vector.shape_cast %get3A_97 : vector<1x16xf32> to vector<16xf32>
        %get3A_99 = arith.index_cast %scan3A_46 : i32 to index
        %get3A_100 = arith.constant 48 : index
        %get3A_101 = tpu.vector_load %arg12[%get3A_99, %get3A_100] {strides = array<i32>} : memref<128x64xf32, #tpu.memory_space<vmem>>, vector<1x16xf32>,
        %get3A_102 = vector.shape_cast %get3A_101 : vector<1x16xf32> to vector<16xf32>
        %add3A_103 = arith.addf %get3A_98, %get3A_102 : vector<16xf32>
        %max3A_104 = arith.constant 0.000000e+00 : f32
        %max3A_105 = vector.broadcast %max3A_104 : f32 to vector<16xf32>
        %max3A_106 = arith.maximumf %add3A_103, %max3A_105 : vector<16xf32>
        %swap3A_107 = arith.index_cast %scan3A_46 : i32 to index
        %swap3A_108 = arith.constant 48 : index
        %swap3A_109 = tpu.vector_load %arg11[%swap3A_107, %swap3A_108] {strides = array<i32>} : memref<128x64xf32, #tpu.memory_space<vmem>>, vector<1x16xf32>,
        %swap3A_110 = vector.shape_cast %swap3A_109 : vector<1x16xf32> to vector<16xf32>
        %swap3A_111 = vector.shape_cast %max3A_106 : vector<16xf32> to vector<1x16xf32>
        tpu.vector_store %arg11[%swap3A_107, %swap3A_108], %swap3A_111 {strides = array<i32>} : memref<128x64xf32, #tpu.memory_space<vmem>>, vector<1x16xf32>,
      }
      %scan3A_39 = arith.constant 128 : i32
      %scan3A_40 = arith.constant 0 : i32
      %scan3A_41 = arith.constant 0 : i32
      %scan3A_42 = arith.constant 8 : i32
      %scan3A_43 = arith.addi %scan3A_41, %scan3A_42 : i32
      %scan3A_44 = arith.constant 1 : i32
      scf.for %scan3A_46 = %scan3A_41 to %scan3A_43 step %scan3A_44  : i32 {
        %mul3A_47 = arith.constant 16 : i32
        %mul3A_48 = arith.muli %scan3A_46, %mul3A_47 : i32
        %get3A = arith.index_cast %mul3A_48 : i32 to index
        %get3A_49 = tpu.vector_load %arg9[%get3A] {strides = array<i32>} : memref<128xi32, #tpu.memory_space<vmem>>, vector<16xi32>,
        %get3A_50 = vector.shape_cast %get3A_49 : vector<16xi32> to vector<16xi32>
        %sub3A = vector.broadcast %mul3A_11 : i32 to vector<16xi32>
        %sub3A_51 = arith.subi %get3A_50, %sub3A : vector<16xi32>
        %ge3A = arith.constant 0 : i32
        %ge3A_52 = vector.broadcast %ge3A : i32 to vector<16xi32>
        %ge3A_53 = arith.cmpi sge, %sub3A_51, %ge3A_52 : vector<16xi32>
        %lt3A = arith.constant 25000 : i32
        %lt3A_54 = vector.broadcast %lt3A : i32 to vector<16xi32>
        %lt3A_55 = arith.cmpi slt, %sub3A_51, %lt3A_54 : vector<16xi32>
        %and3A = arith.andi %ge3A_53, %lt3A_55 : vector<16xi1>
        %jit3A = arith.constant 25000 : i32
        %broadcast_in_dim3A = vector.broadcast %jit3A : i32 to vector<16xi32>
        %select_n3A = arith.select %and3A, %sub3A_51, %broadcast_in_dim3A : vector<16xi1>, vector<16xi32>
        %mul3A_56 = arith.constant 16 : i32
        %mul3A_57 = arith.muli %scan3A_46, %mul3A_56 : i32
        %swap3A = arith.index_cast %mul3A_57 : i32 to index
        %swap3A_58 = tpu.vector_load %arg10[%swap3A] {strides = array<i32>} : memref<128xi32, #tpu.memory_space<vmem>>, vector<16xi32>,
        %swap3A_59 = vector.shape_cast %swap3A_58 : vector<16xi32> to vector<16xi32>
        %swap3A_60 = vector.shape_cast %select_n3A : vector<16xi32> to vector<16xi32>
        tpu.vector_store %arg10[%swap3A], %swap3A_60 {strides = array<i32>} : memref<128xi32, #tpu.memory_space<vmem>>, vector<16xi32>,
      }
      %scan3A_45 = arith.constant 8 : i32
      "tpu.region"() ({
        %run_scoped3A = tpu.sem_alloc : memref<!tpu.dma_semaphore, #tpu.memory_space<semaphore_mem>>
        %dma_start3A_46 = arith.constant 0 : i32
        %dma_start3A_47 = arith.constant 0 : i32
        %dma_start3A_48 = tpu.memref_slice %arg7[%dma_start3A_46, %dma_start3A_47] : memref<25088x64xf32, #tpu.memory_space<vmem_shared>> -> memref<25088x64xf32, #tpu.memory_space<vmem_shared>>
        tpu.enqueue_indirect_dma source(%arg11 : memref<128x64xf32, #tpu.memory_space<vmem>>) target(%dma_start3A_48 : memref<25088x64xf32, #tpu.memory_space<vmem_shared>>) offsets(%arg10 : memref<128xi32, #tpu.memory_space<vmem>>) semaphore(%run_scoped3A : memref<!tpu.dma_semaphore, #tpu.memory_space<semaphore_mem>>) {add = true}
        %dma_wait3A_49 = arith.constant 0 : i32
        %dma_wait3A_50 = arith.constant 0 : i32
        %dma_wait3A_51 = tpu.memref_slice %arg7[%dma_wait3A_49, %dma_wait3A_50] : memref<25088x64xf32, #tpu.memory_space<vmem_shared>> -> memref<25088x64xf32, #tpu.memory_space<vmem_shared>>
        tpu.wait_indirect_dma semaphore(%run_scoped3A : memref<!tpu.dma_semaphore, #tpu.memory_space<semaphore_mem>>) src(%arg11 : memref<128x64xf32, #tpu.memory_space<vmem>>) dst(%dma_wait3A_51 : memref<25088x64xf32, #tpu.memory_space<vmem_shared>>)
        tpu.yield
      }) : () -> ()
    }
    %scan3A_19 = arith.constant 392 : i32
    %barrier3A_20 = arith.constant 0 : index
    tpu.barrier barrier_id(%barrier3A_20)
    %scan3A_21 = arith.constant 0 : i32
    %scan3A_22 = arith.constant 0 : i32
    %scan3A_23 = arith.constant 2 : i32
    %scan3A_24 = arith.addi %scan3A_22, %scan3A_23 : i32
    %scan3A_25 = arith.constant 1 : i32
    scf.for %scan3A_27 = %scan3A_22 to %scan3A_24 step %scan3A_25  : i32 {
      %mul3A_28 = arith.constant 16 : i32
      %mul3A_29 = arith.muli %scan3A_27, %mul3A_28 : i32
      %add3A = arith.addi %arg1, %mul3A_29 : i32
      %lt3A = arith.constant 25 : i32
      %lt3A_30 = arith.cmpi slt, %add3A, %lt3A : i32
      %convert_element_type3A = arith.extui %lt3A_30 : i1 to i32
      %cond3A = arith.constant 0 : i32
      %cond3A_31 = arith.cmpi ne, %convert_element_type3A, %cond3A : i32
      scf.if %cond3A_31 {
        %mul3A_32 = arith.constant 1000 : i32
        %mul3A_33 = arith.muli %add3A, %mul3A_32 : i32
        %multiple_of3A = tpu.assume_multiple %mul3A_33, 8 : i32
        %add3A_34 = arith.addi %mul3A_11, %multiple_of3A : i32
        "tpu.region"() ({
          %run_scoped3A = tpu.sem_alloc : memref<!tpu.dma_semaphore, #tpu.memory_space<semaphore_mem>>
          %dma_start3A = arith.constant 0 : i32
          %dma_start3A_35 = tpu.memref_slice %arg6[%add3A_34, %dma_start3A] : memref<50000x64xf32, #tpu.memory_space<hbm>> -> memref<1000x64xf32, #tpu.memory_space<hbm>>
          %dma_start3A_36 = arith.constant 0 : i32
          %dma_start3A_37 = tpu.memref_slice %arg7[%multiple_of3A, %dma_start3A_36] : memref<25088x64xf32, #tpu.memory_space<vmem_shared>> -> memref<1000x64xf32, #tpu.memory_space<vmem_shared>>
          tpu.enqueue_dma source(%dma_start3A_37 : memref<1000x64xf32, #tpu.memory_space<vmem_shared>>) target(%dma_start3A_35 : memref<1000x64xf32, #tpu.memory_space<hbm>>) target_semaphore(%run_scoped3A : memref<!tpu.dma_semaphore, #tpu.memory_space<semaphore_mem>>)
          %dma_wait3A = arith.constant 0 : i32
          %dma_wait3A_38 = tpu.memref_slice %arg6[%add3A_34, %dma_wait3A] : memref<50000x64xf32, #tpu.memory_space<hbm>> -> memref<1000x64xf32, #tpu.memory_space<hbm>>
          %dma_wait3A_39 = arith.constant 0 : i32
          %dma_wait3A_40 = tpu.memref_slice %arg7[%multiple_of3A, %dma_wait3A_39] : memref<25088x64xf32, #tpu.memory_space<vmem_shared>> -> memref<1000x64xf32, #tpu.memory_space<vmem_shared>>
          tpu.wait_dma2 semaphore(%run_scoped3A : memref<!tpu.dma_semaphore, #tpu.memory_space<semaphore_mem>>) src(%dma_wait3A_40 : memref<1000x64xf32, #tpu.memory_space<vmem_shared>>) dst(%dma_wait3A_38 : memref<1000x64xf32, #tpu.memory_space<hbm>>)
          tpu.yield
        }) : () -> ()
      } else {
      }
    }
    %scan3A_26 = arith.constant 2 : i32
    return
  }
}

module attributes {stable_mosaic.version = 14 : i64} {
  func.func @_enc_body(%arg0: i32, %arg1: memref<6272x8xf32, #tpu.memory_space<vmem>>, %arg2: memref<8x64xf32, #tpu.memory_space<vmem>>, %arg3: memref<1x64xf32, #tpu.memory_space<vmem>>, %arg4: memref<6272x64xf32, #tpu.memory_space<vmem>>) attributes {dimension_semantics = [#tpu.dimension_semantics<arbitrary>], iteration_bounds = array<i64: 128>, scalar_prefetch = 0 : i64, scratch_operands = 0 : i64, tpu.core_type = #tpu.core_type<tc>, window_params = [{transform_indices = @transform_0, window_bounds = array<i64: 6272, 8>}, {pipeline_mode = #tpu.pipeline_mode<synchronous>, transform_indices = @transform_1, window_bounds = array<i64: 8, 64>}, {pipeline_mode = #tpu.pipeline_mode<synchronous>, transform_indices = @transform_2, window_bounds = array<i64: 1, 64>}, {transform_indices = @transform_3, window_bounds = array<i64: 6272, 64>}]} {
    %get3A = arith.constant 0 : index
    %get3A_0 = arith.constant 0 : index
    %get3A_1 = vector.load %arg1[%get3A, %get3A_0] : memref<6272x8xf32, #tpu.memory_space<vmem>>, vector<6272x8xf32>
    %get3A_2 = arith.constant 0 : index
    %get3A_3 = arith.constant 0 : index
    %get3A_4 = vector.load %arg2[%get3A_2, %get3A_3] : memref<8x64xf32, #tpu.memory_space<vmem>>, vector<8x64xf32>
    %dot_general3A = arith.constant dense<0.000000e+00> : vector<6272x64xf32>
    %dot_general3A_5 = tpu.matmul %get3A_1, %get3A_4, %dot_general3A {dimension_numbers = #tpu.dot_dimension_numbers<[1], [0], [0], [1], [0, 0, 1, 1], [], []>, transpose_lhs_hint = false} : vector<6272x8xf32>, vector<8x64xf32>, vector<6272x64xf32> -> vector<6272x64xf32>
    %get3A_6 = arith.constant 0 : index
    %get3A_7 = arith.constant 0 : index
    %get3A_8 = vector.load %arg3[%get3A_6, %get3A_7] : memref<1x64xf32, #tpu.memory_space<vmem>>, vector<1x64xf32>
    %add3A = vector.broadcast %get3A_8 : vector<1x64xf32> to vector<6272x64xf32>
    %add3A_9 = arith.addf %dot_general3A_5, %add3A : vector<6272x64xf32>
    %swap3A = arith.constant 0 : index
    %swap3A_10 = arith.constant 0 : index
    %swap3A_11 = vector.load %arg4[%swap3A, %swap3A_10] : memref<6272x64xf32, #tpu.memory_space<vmem>>, vector<6272x64xf32>
    tpu.vector_store %arg4[%swap3A, %swap3A_10], %add3A_9 {strides = array<i32>} : memref<6272x64xf32, #tpu.memory_space<vmem>>, vector<6272x64xf32>,
    return
  }
  func.func @transform_0(%arg0: i32) -> (i32, i32) {
    %c0_i32 = arith.constant 0 : i32
    %c0_i32_0 = arith.constant 0 : i32
    return %arg0, %c0_i32 : i32, i32
  }
  func.func @transform_1(%arg0: i32) -> (i32, i32) {
    %c0_i32 = arith.constant 0 : i32
    %c0_i32_0 = arith.constant 0 : i32
    %c0_i32_1 = arith.constant 0 : i32
    return %c0_i32, %c0_i32_0 : i32, i32
  }
  func.func @transform_2(%arg0: i32) -> (i32, i32) {
    %c0_i32 = arith.constant 0 : i32
    %c0_i32_0 = arith.constant 0 : i32
    %c0_i32_1 = arith.constant 0 : i32
    return %c0_i32, %c0_i32_0 : i32, i32
  }
  func.func @transform_3(%arg0: i32) -> (i32, i32) {
    %c0_i32 = arith.constant 0 : i32
    %c0_i32_0 = arith.constant 0 : i32
    return %arg0, %c0_i32 : i32, i32
  }
}

module attributes {stable_mosaic.version = 14 : i64} {
  func.func @_enc_body(%arg0: i32, %arg1: memref<2000x16xf32, #tpu.memory_space<vmem>>, %arg2: memref<16x64xf32, #tpu.memory_space<vmem>>, %arg3: memref<1x64xf32, #tpu.memory_space<vmem>>, %arg4: memref<2000x64xf32, #tpu.memory_space<vmem>>) attributes {dimension_semantics = [#tpu.dimension_semantics<arbitrary>], iteration_bounds = array<i64: 25>, scalar_prefetch = 0 : i64, scratch_operands = 0 : i64, tpu.core_type = #tpu.core_type<tc>, window_params = [{transform_indices = @transform_0, window_bounds = array<i64: 2000, 16>}, {pipeline_mode = #tpu.pipeline_mode<synchronous>, transform_indices = @transform_1, window_bounds = array<i64: 16, 64>}, {pipeline_mode = #tpu.pipeline_mode<synchronous>, transform_indices = @transform_2, window_bounds = array<i64: 1, 64>}, {transform_indices = @transform_3, window_bounds = array<i64: 2000, 64>}]} {
    %get3A = arith.constant 0 : index
    %get3A_0 = arith.constant 0 : index
    %get3A_1 = vector.load %arg1[%get3A, %get3A_0] : memref<2000x16xf32, #tpu.memory_space<vmem>>, vector<2000x16xf32>
    %get3A_2 = arith.constant 0 : index
    %get3A_3 = arith.constant 0 : index
    %get3A_4 = vector.load %arg2[%get3A_2, %get3A_3] : memref<16x64xf32, #tpu.memory_space<vmem>>, vector<16x64xf32>
    %dot_general3A = arith.constant dense<0.000000e+00> : vector<2000x64xf32>
    %dot_general3A_5 = tpu.matmul %get3A_1, %get3A_4, %dot_general3A {dimension_numbers = #tpu.dot_dimension_numbers<[1], [0], [0], [1], [0, 0, 1, 1], [], []>, transpose_lhs_hint = false} : vector<2000x16xf32>, vector<16x64xf32>, vector<2000x64xf32> -> vector<2000x64xf32>
    %get3A_6 = arith.constant 0 : index
    %get3A_7 = arith.constant 0 : index
    %get3A_8 = vector.load %arg3[%get3A_6, %get3A_7] : memref<1x64xf32, #tpu.memory_space<vmem>>, vector<1x64xf32>
    %add3A = vector.broadcast %get3A_8 : vector<1x64xf32> to vector<2000x64xf32>
    %add3A_9 = arith.addf %dot_general3A_5, %add3A : vector<2000x64xf32>
    %swap3A = arith.constant 0 : index
    %swap3A_10 = arith.constant 0 : index
    %swap3A_11 = vector.load %arg4[%swap3A, %swap3A_10] : memref<2000x64xf32, #tpu.memory_space<vmem>>, vector<2000x64xf32>
    tpu.vector_store %arg4[%swap3A, %swap3A_10], %add3A_9 {strides = array<i32>} : memref<2000x64xf32, #tpu.memory_space<vmem>>, vector<2000x64xf32>,
    return
  }
  func.func @transform_0(%arg0: i32) -> (i32, i32) {
    %c0_i32 = arith.constant 0 : i32
    %c0_i32_0 = arith.constant 0 : i32
    return %arg0, %c0_i32 : i32, i32
  }
  func.func @transform_1(%arg0: i32) -> (i32, i32) {
    %c0_i32 = arith.constant 0 : i32
    %c0_i32_0 = arith.constant 0 : i32
    %c0_i32_1 = arith.constant 0 : i32
    return %c0_i32, %c0_i32_0 : i32, i32
  }
  func.func @transform_2(%arg0: i32) -> (i32, i32) {
    %c0_i32 = arith.constant 0 : i32
    %c0_i32_0 = arith.constant 0 : i32
    %c0_i32_1 = arith.constant 0 : i32
    return %c0_i32, %c0_i32_0 : i32, i32
  }
  func.func @transform_3(%arg0: i32) -> (i32, i32) {
    %c0_i32 = arith.constant 0 : i32
    %c0_i32_0 = arith.constant 0 : i32
    return %arg0, %c0_i32 : i32, i32
  }
}

module attributes {stable_mosaic.version = 14 : i64} {
  func.func @_lin_stats_body(%arg0: i32, %arg1: memref<2000x64xf32, #tpu.memory_space<vmem>>, %arg2: memref<2000x64xf32, #tpu.memory_space<vmem>>, %arg3: memref<64x64xf32, #tpu.memory_space<vmem>>, %arg4: memref<1x64xf32, #tpu.memory_space<vmem>>, %arg5: memref<2000x64xf32, #tpu.memory_space<vmem>>, %arg6: memref<2x64xf32, #tpu.memory_space<vmem>>) attributes {dimension_semantics = [#tpu.dimension_semantics<arbitrary>], iteration_bounds = array<i64: 25>, scalar_prefetch = 0 : i64, scratch_operands = 0 : i64, tpu.core_type = #tpu.core_type<tc>, window_params = [{transform_indices = @transform_0, window_bounds = array<i64: 2000, 64>}, {transform_indices = @transform_1, window_bounds = array<i64: 2000, 64>}, {pipeline_mode = #tpu.pipeline_mode<synchronous>, transform_indices = @transform_2, window_bounds = array<i64: 64, 64>}, {pipeline_mode = #tpu.pipeline_mode<synchronous>, transform_indices = @transform_3, window_bounds = array<i64: 1, 64>}, {transform_indices = @transform_4, window_bounds = array<i64: 2000, 64>}, {pipeline_mode = #tpu.pipeline_mode<synchronous>, transform_indices = @transform_5, window_bounds = array<i64: 2, 64>}]} {
    %get3A = arith.constant 0 : index
    %get3A_0 = arith.constant 0 : index
    %get3A_1 = vector.load %arg1[%get3A, %get3A_0] : memref<2000x64xf32, #tpu.memory_space<vmem>>, vector<2000x64xf32>
    %get3A_2 = arith.constant 0 : index
    %get3A_3 = arith.constant 0 : index
    %get3A_4 = vector.load %arg2[%get3A_2, %get3A_3] : memref<2000x64xf32, #tpu.memory_space<vmem>>, vector<2000x64xf32>
    %add3A = arith.addf %get3A_1, %get3A_4 : vector<2000x64xf32>
    %get3A_5 = arith.constant 0 : index
    %get3A_6 = arith.constant 0 : index
    %get3A_7 = vector.load %arg3[%get3A_5, %get3A_6] : memref<64x64xf32, #tpu.memory_space<vmem>>, vector<64x64xf32>
    %dot_general3A = arith.constant dense<0.000000e+00> : vector<2000x64xf32>
    %dot_general3A_8 = tpu.matmul %add3A, %get3A_7, %dot_general3A {dimension_numbers = #tpu.dot_dimension_numbers<[1], [0], [0], [1], [0, 0, 1, 1], [], []>, transpose_lhs_hint = false} : vector<2000x64xf32>, vector<64x64xf32>, vector<2000x64xf32> -> vector<2000x64xf32>
    %get3A_9 = arith.constant 0 : index
    %get3A_10 = arith.constant 0 : index
    %get3A_11 = vector.load %arg4[%get3A_9, %get3A_10] : memref<1x64xf32, #tpu.memory_space<vmem>>, vector<1x64xf32>
    %add3A_12 = vector.broadcast %get3A_11 : vector<1x64xf32> to vector<2000x64xf32>
    %add3A_13 = arith.addf %dot_general3A_8, %add3A_12 : vector<2000x64xf32>
    %swap3A = arith.constant 0 : index
    %swap3A_14 = arith.constant 0 : index
    %swap3A_15 = vector.load %arg5[%swap3A, %swap3A_14] : memref<2000x64xf32, #tpu.memory_space<vmem>>, vector<2000x64xf32>
    tpu.vector_store %arg5[%swap3A, %swap3A_14], %add3A_13 {strides = array<i32>} : memref<2000x64xf32, #tpu.memory_space<vmem>>, vector<2000x64xf32>,
    %eq3A = arith.constant 0 : i32
    %eq3A_16 = arith.cmpi eq, %arg0, %eq3A : i32
    %convert_element_type3A = arith.extui %eq3A_16 : i1 to i32
    %cond3A = arith.constant 0 : i32
    %cond3A_17 = arith.cmpi ne, %convert_element_type3A, %cond3A : i32
    scf.if %cond3A_17 {
      %broadcast_in_dim3A_36 = arith.constant 0.000000e+00 : f32
      %broadcast_in_dim3A_37 = vector.broadcast %broadcast_in_dim3A_36 : f32 to vector<2x64xf32>
      %swap3A_38 = arith.constant 0 : index
      %swap3A_39 = arith.constant 0 : index
      %swap3A_40 = vector.load %arg6[%swap3A_38, %swap3A_39] : memref<2x64xf32, #tpu.memory_space<vmem>>, vector<2x64xf32>
      tpu.vector_store %arg6[%swap3A_38, %swap3A_39], %broadcast_in_dim3A_37 {strides = array<i32>} : memref<2x64xf32, #tpu.memory_space<vmem>>, vector<2x64xf32>,
    } else {
    }
    %get3A_18 = arith.constant 0 : index
    %get3A_19 = arith.constant 0 : index
    %get3A_20 = vector.load %arg6[%get3A_18, %get3A_19] : memref<2x64xf32, #tpu.memory_space<vmem>>, vector<1x64xf32>
    %reduce_sum3A = arith.constant dense<0.000000e+00> : vector<64xf32>
    %reduce_sum3A_21 = vector.multi_reduction <add>, %add3A_13, %reduce_sum3A [0] : vector<2000x64xf32> to vector<64xf32>
    %broadcast_in_dim3A = vector.shape_cast %reduce_sum3A_21 : vector<64xf32> to vector<1x64xf32>
    %add3A_22 = arith.addf %get3A_20, %broadcast_in_dim3A : vector<1x64xf32>
    %swap3A_23 = arith.constant 0 : index
    %swap3A_24 = arith.constant 0 : index
    %swap3A_25 = vector.load %arg6[%swap3A_23, %swap3A_24] : memref<2x64xf32, #tpu.memory_space<vmem>>, vector<1x64xf32>
    tpu.vector_store %arg6[%swap3A_23, %swap3A_24], %add3A_22 {strides = array<i32>} : memref<2x64xf32, #tpu.memory_space<vmem>>, vector<1x64xf32>,
    %get3A_26 = arith.constant 1 : index
    %get3A_27 = arith.constant 0 : index
    %get3A_28 = vector.load %arg6[%get3A_26, %get3A_27] : memref<2x64xf32, #tpu.memory_space<vmem>>, vector<1x64xf32>
    %mul3A = arith.mulf %add3A_13, %add3A_13 : vector<2000x64xf32>
    %reduce_sum3A_29 = arith.constant dense<0.000000e+00> : vector<64xf32>
    %reduce_sum3A_30 = vector.multi_reduction <add>, %mul3A, %reduce_sum3A_29 [0] : vector<2000x64xf32> to vector<64xf32>
    %broadcast_in_dim3A_31 = vector.shape_cast %reduce_sum3A_30 : vector<64xf32> to vector<1x64xf32>
    %add3A_32 = arith.addf %get3A_28, %broadcast_in_dim3A_31 : vector<1x64xf32>
    %swap3A_33 = arith.constant 1 : index
    %swap3A_34 = arith.constant 0 : index
    %swap3A_35 = vector.load %arg6[%swap3A_33, %swap3A_34] : memref<2x64xf32, #tpu.memory_space<vmem>>, vector<1x64xf32>
    tpu.vector_store %arg6[%swap3A_33, %swap3A_34], %add3A_32 {strides = array<i32>} : memref<2x64xf32, #tpu.memory_space<vmem>>, vector<1x64xf32>,
    return
  }
  func.func @transform_0(%arg0: i32) -> (i32, i32) {
    %c0_i32 = arith.constant 0 : i32
    %c0_i32_0 = arith.constant 0 : i32
    return %arg0, %c0_i32 : i32, i32
  }
  func.func @transform_1(%arg0: i32) -> (i32, i32) {
    %c0_i32 = arith.constant 0 : i32
    %c0_i32_0 = arith.constant 0 : i32
    return %arg0, %c0_i32 : i32, i32
  }
  func.func @transform_2(%arg0: i32) -> (i32, i32) {
    %c0_i32 = arith.constant 0 : i32
    %c0_i32_0 = arith.constant 0 : i32
    %c0_i32_1 = arith.constant 0 : i32
    return %c0_i32, %c0_i32_0 : i32, i32
  }
  func.func @transform_3(%arg0: i32) -> (i32, i32) {
    %c0_i32 = arith.constant 0 : i32
    %c0_i32_0 = arith.constant 0 : i32
    %c0_i32_1 = arith.constant 0 : i32
    return %c0_i32, %c0_i32_0 : i32, i32
  }
  func.func @transform_4(%arg0: i32) -> (i32, i32) {
    %c0_i32 = arith.constant 0 : i32
    %c0_i32_0 = arith.constant 0 : i32
    return %arg0, %c0_i32 : i32, i32
  }
  func.func @transform_5(%arg0: i32) -> (i32, i32) {
    %c0_i32 = arith.constant 0 : i32
    %c0_i32_0 = arith.constant 0 : i32
    %c0_i32_1 = arith.constant 0 : i32
    return %c0_i32, %c0_i32_0 : i32, i32
  }
}

module attributes {stable_mosaic.version = 14 : i64} {
  func.func @_bn_lin_stats_body(%arg0: i32, %arg1: memref<2000x64xf32, #tpu.memory_space<vmem>>, %arg2: memref<2x64xf32, #tpu.memory_space<vmem>>, %arg3: memref<1x64xf32, #tpu.memory_space<vmem>>, %arg4: memref<1x64xf32, #tpu.memory_space<vmem>>, %arg5: memref<64x64xf32, #tpu.memory_space<vmem>>, %arg6: memref<1x64xf32, #tpu.memory_space<vmem>>, %arg7: memref<2000x64xf32, #tpu.memory_space<vmem>>, %arg8: memref<2x64xf32, #tpu.memory_space<vmem>>) attributes {dimension_semantics = [#tpu.dimension_semantics<arbitrary>], iteration_bounds = array<i64: 25>, scalar_prefetch = 0 : i64, scratch_operands = 0 : i64, tpu.core_type = #tpu.core_type<tc>, window_params = [{transform_indices = @transform_0, window_bounds = array<i64: 2000, 64>}, {pipeline_mode = #tpu.pipeline_mode<synchronous>, transform_indices = @transform_1, window_bounds = array<i64: 2, 64>}, {pipeline_mode = #tpu.pipeline_mode<synchronous>, transform_indices = @transform_2, window_bounds = array<i64: 1, 64>}, {pipeline_mode = #tpu.pipeline_mode<synchronous>, transform_indices = @transform_3, window_bounds = array<i64: 1, 64>}, {pipeline_mode = #tpu.pipeline_mode<synchronous>, transform_indices = @transform_4, window_bounds = array<i64: 64, 64>}, {pipeline_mode = #tpu.pipeline_mode<synchronous>, transform_indices = @transform_5, window_bounds = array<i64: 1, 64>}, {transform_indices = @transform_6, window_bounds = array<i64: 2000, 64>}, {pipeline_mode = #tpu.pipeline_mode<synchronous>, transform_indices = @transform_7, window_bounds = array<i64: 2, 64>}]} {
    %get3A = arith.constant 0 : index
    %get3A_0 = arith.constant 0 : index
    %get3A_1 = vector.load %arg2[%get3A, %get3A_0] : memref<2x64xf32, #tpu.memory_space<vmem>>, vector<2x64xf32>
    %slice3A = vector.extract_strided_slice %get3A_1 {offsets = [0, 0], sizes = [1, 64], strides = [1, 1]} : vector<2x64xf32> to vector<1x64xf32>
    %mul3A = arith.constant 2.000000e-05 : f32
    %mul3A_2 = vector.broadcast %mul3A : f32 to vector<1x64xf32>
    %mul3A_3 = arith.mulf %slice3A, %mul3A_2 : vector<1x64xf32>
    %slice3A_4 = vector.extract_strided_slice %get3A_1 {offsets = [1, 0], sizes = [1, 64], strides = [1, 1]} : vector<2x64xf32> to vector<1x64xf32>
    %mul3A_5 = arith.constant 2.000000e-05 : f32
    %mul3A_6 = vector.broadcast %mul3A_5 : f32 to vector<1x64xf32>
    %mul3A_7 = arith.mulf %slice3A_4, %mul3A_6 : vector<1x64xf32>
    %mul3A_8 = arith.mulf %mul3A_3, %mul3A_3 : vector<1x64xf32>
    %sub3A = arith.subf %mul3A_7, %mul3A_8 : vector<1x64xf32>
    %add3A = arith.constant 9.99999974E-6 : f32
    %add3A_9 = vector.broadcast %add3A : f32 to vector<1x64xf32>
    %add3A_10 = arith.addf %sub3A, %add3A_9 : vector<1x64xf32>
    %rsqrt3A = math.rsqrt %add3A_10 : vector<1x64xf32>
    %get3A_11 = arith.constant 0 : index
    %get3A_12 = arith.constant 0 : index
    %get3A_13 = vector.load %arg3[%get3A_11, %get3A_12] : memref<1x64xf32, #tpu.memory_space<vmem>>, vector<1x64xf32>
    %mul3A_14 = arith.mulf %rsqrt3A, %get3A_13 : vector<1x64xf32>
    %get3A_15 = arith.constant 0 : index
    %get3A_16 = arith.constant 0 : index
    %get3A_17 = vector.load %arg1[%get3A_15, %get3A_16] : memref<2000x64xf32, #tpu.memory_space<vmem>>, vector<2000x64xf32>
    %sub3A_18 = vector.broadcast %mul3A_3 : vector<1x64xf32> to vector<2000x64xf32>
    %sub3A_19 = arith.subf %get3A_17, %sub3A_18 : vector<2000x64xf32>
    %mul3A_20 = vector.broadcast %mul3A_14 : vector<1x64xf32> to vector<2000x64xf32>
    %mul3A_21 = arith.mulf %sub3A_19, %mul3A_20 : vector<2000x64xf32>
    %get3A_22 = arith.constant 0 : index
    %get3A_23 = arith.constant 0 : index
    %get3A_24 = vector.load %arg4[%get3A_22, %get3A_23] : memref<1x64xf32, #tpu.memory_space<vmem>>, vector<1x64xf32>
    %add3A_25 = vector.broadcast %get3A_24 : vector<1x64xf32> to vector<2000x64xf32>
    %add3A_26 = arith.addf %mul3A_21, %add3A_25 : vector<2000x64xf32>
    %max3A = arith.constant 0.000000e+00 : f32
    %max3A_27 = vector.broadcast %max3A : f32 to vector<2000x64xf32>
    %max3A_28 = arith.maximumf %add3A_26, %max3A_27 : vector<2000x64xf32>
    %get3A_29 = arith.constant 0 : index
    %get3A_30 = arith.constant 0 : index
    %get3A_31 = vector.load %arg5[%get3A_29, %get3A_30] : memref<64x64xf32, #tpu.memory_space<vmem>>, vector<64x64xf32>
    %dot_general3A = arith.constant dense<0.000000e+00> : vector<2000x64xf32>
    %dot_general3A_32 = tpu.matmul %max3A_28, %get3A_31, %dot_general3A {dimension_numbers = #tpu.dot_dimension_numbers<[1], [0], [0], [1], [0, 0, 1, 1], [], []>, transpose_lhs_hint = false} : vector<2000x64xf32>, vector<64x64xf32>, vector<2000x64xf32> -> vector<2000x64xf32>
    %get3A_33 = arith.constant 0 : index
    %get3A_34 = arith.constant 0 : index
    %get3A_35 = vector.load %arg6[%get3A_33, %get3A_34] : memref<1x64xf32, #tpu.memory_space<vmem>>, vector<1x64xf32>
    %add3A_36 = vector.broadcast %get3A_35 : vector<1x64xf32> to vector<2000x64xf32>
    %add3A_37 = arith.addf %dot_general3A_32, %add3A_36 : vector<2000x64xf32>
    %swap3A = arith.constant 0 : index
    %swap3A_38 = arith.constant 0 : index
    %swap3A_39 = vector.load %arg7[%swap3A, %swap3A_38] : memref<2000x64xf32, #tpu.memory_space<vmem>>, vector<2000x64xf32>
    tpu.vector_store %arg7[%swap3A, %swap3A_38], %add3A_37 {strides = array<i32>} : memref<2000x64xf32, #tpu.memory_space<vmem>>, vector<2000x64xf32>,
    %eq3A = arith.constant 0 : i32
    %eq3A_40 = arith.cmpi eq, %arg0, %eq3A : i32
    %convert_element_type3A = arith.extui %eq3A_40 : i1 to i32
    %cond3A = arith.constant 0 : i32
    %cond3A_41 = arith.cmpi ne, %convert_element_type3A, %cond3A : i32
    scf.if %cond3A_41 {
      %broadcast_in_dim3A_61 = arith.constant 0.000000e+00 : f32
      %broadcast_in_dim3A_62 = vector.broadcast %broadcast_in_dim3A_61 : f32 to vector<2x64xf32>
      %swap3A_63 = arith.constant 0 : index
      %swap3A_64 = arith.constant 0 : index
      %swap3A_65 = vector.load %arg8[%swap3A_63, %swap3A_64] : memref<2x64xf32, #tpu.memory_space<vmem>>, vector<2x64xf32>
      tpu.vector_store %arg8[%swap3A_63, %swap3A_64], %broadcast_in_dim3A_62 {strides = array<i32>} : memref<2x64xf32, #tpu.memory_space<vmem>>, vector<2x64xf32>,
    } else {
    }
    %get3A_42 = arith.constant 0 : index
    %get3A_43 = arith.constant 0 : index
    %get3A_44 = vector.load %arg8[%get3A_42, %get3A_43] : memref<2x64xf32, #tpu.memory_space<vmem>>, vector<1x64xf32>
    %reduce_sum3A = arith.constant dense<0.000000e+00> : vector<64xf32>
    %reduce_sum3A_45 = vector.multi_reduction <add>, %add3A_37, %reduce_sum3A [0] : vector<2000x64xf32> to vector<64xf32>
    %broadcast_in_dim3A = vector.shape_cast %reduce_sum3A_45 : vector<64xf32> to vector<1x64xf32>
    %add3A_46 = arith.addf %get3A_44, %broadcast_in_dim3A : vector<1x64xf32>
    %swap3A_47 = arith.constant 0 : index
    %swap3A_48 = arith.constant 0 : index
    %swap3A_49 = vector.load %arg8[%swap3A_47, %swap3A_48] : memref<2x64xf32, #tpu.memory_space<vmem>>, vector<1x64xf32>
    tpu.vector_store %arg8[%swap3A_47, %swap3A_48], %add3A_46 {strides = array<i32>} : memref<2x64xf32, #tpu.memory_space<vmem>>, vector<1x64xf32>,
    %get3A_50 = arith.constant 1 : index
    %get3A_51 = arith.constant 0 : index
    %get3A_52 = vector.load %arg8[%get3A_50, %get3A_51] : memref<2x64xf32, #tpu.memory_space<vmem>>, vector<1x64xf32>
    %mul3A_53 = arith.mulf %add3A_37, %add3A_37 : vector<2000x64xf32>
    %reduce_sum3A_54 = arith.constant dense<0.000000e+00> : vector<64xf32>
    %reduce_sum3A_55 = vector.multi_reduction <add>, %mul3A_53, %reduce_sum3A_54 [0] : vector<2000x64xf32> to vector<64xf32>
    %broadcast_in_dim3A_56 = vector.shape_cast %reduce_sum3A_55 : vector<64xf32> to vector<1x64xf32>
    %add3A_57 = arith.addf %get3A_52, %broadcast_in_dim3A_56 : vector<1x64xf32>
    %swap3A_58 = arith.constant 1 : index
    %swap3A_59 = arith.constant 0 : index
    %swap3A_60 = vector.load %arg8[%swap3A_58, %swap3A_59] : memref<2x64xf32, #tpu.memory_space<vmem>>, vector<1x64xf32>
    tpu.vector_store %arg8[%swap3A_58, %swap3A_59], %add3A_57 {strides = array<i32>} : memref<2x64xf32, #tpu.memory_space<vmem>>, vector<1x64xf32>,
    return
  }
  func.func @transform_0(%arg0: i32) -> (i32, i32) {
    %c0_i32 = arith.constant 0 : i32
    %c0_i32_0 = arith.constant 0 : i32
    return %arg0, %c0_i32 : i32, i32
  }
  func.func @transform_1(%arg0: i32) -> (i32, i32) {
    %c0_i32 = arith.constant 0 : i32
    %c0_i32_0 = arith.constant 0 : i32
    %c0_i32_1 = arith.constant 0 : i32
    return %c0_i32, %c0_i32_0 : i32, i32
  }
  func.func @transform_2(%arg0: i32) -> (i32, i32) {
    %c0_i32 = arith.constant 0 : i32
    %c0_i32_0 = arith.constant 0 : i32
    %c0_i32_1 = arith.constant 0 : i32
    return %c0_i32, %c0_i32_0 : i32, i32
  }
  func.func @transform_3(%arg0: i32) -> (i32, i32) {
    %c0_i32 = arith.constant 0 : i32
    %c0_i32_0 = arith.constant 0 : i32
    %c0_i32_1 = arith.constant 0 : i32
    return %c0_i32, %c0_i32_0 : i32, i32
  }
  func.func @transform_4(%arg0: i32) -> (i32, i32) {
    %c0_i32 = arith.constant 0 : i32
    %c0_i32_0 = arith.constant 0 : i32
    %c0_i32_1 = arith.constant 0 : i32
    return %c0_i32, %c0_i32_0 : i32, i32
  }
  func.func @transform_5(%arg0: i32) -> (i32, i32) {
    %c0_i32 = arith.constant 0 : i32
    %c0_i32_0 = arith.constant 0 : i32
    %c0_i32_1 = arith.constant 0 : i32
    return %c0_i32, %c0_i32_0 : i32, i32
  }
  func.func @transform_6(%arg0: i32) -> (i32, i32) {
    %c0_i32 = arith.constant 0 : i32
    %c0_i32_0 = arith.constant 0 : i32
    return %arg0, %c0_i32 : i32, i32
  }
  func.func @transform_7(%arg0: i32) -> (i32, i32) {
    %c0_i32 = arith.constant 0 : i32
    %c0_i32_0 = arith.constant 0 : i32
    %c0_i32_1 = arith.constant 0 : i32
    return %c0_i32, %c0_i32_0 : i32, i32
  }
}

module attributes {stable_mosaic.version = 14 : i64} {
  func.func @_bn_relu_body(%arg0: i32, %arg1: memref<2000x64xf32, #tpu.memory_space<vmem>>, %arg2: memref<2x64xf32, #tpu.memory_space<vmem>>, %arg3: memref<1x64xf32, #tpu.memory_space<vmem>>, %arg4: memref<1x64xf32, #tpu.memory_space<vmem>>, %arg5: memref<2000x64xf32, #tpu.memory_space<vmem>>) attributes {dimension_semantics = [#tpu.dimension_semantics<arbitrary>], iteration_bounds = array<i64: 25>, scalar_prefetch = 0 : i64, scratch_operands = 0 : i64, tpu.core_type = #tpu.core_type<tc>, window_params = [{transform_indices = @transform_0, window_bounds = array<i64: 2000, 64>}, {pipeline_mode = #tpu.pipeline_mode<synchronous>, transform_indices = @transform_1, window_bounds = array<i64: 2, 64>}, {pipeline_mode = #tpu.pipeline_mode<synchronous>, transform_indices = @transform_2, window_bounds = array<i64: 1, 64>}, {pipeline_mode = #tpu.pipeline_mode<synchronous>, transform_indices = @transform_3, window_bounds = array<i64: 1, 64>}, {transform_indices = @transform_4, window_bounds = array<i64: 2000, 64>}]} {
    %get3A = arith.constant 0 : index
    %get3A_0 = arith.constant 0 : index
    %get3A_1 = vector.load %arg2[%get3A, %get3A_0] : memref<2x64xf32, #tpu.memory_space<vmem>>, vector<2x64xf32>
    %slice3A = vector.extract_strided_slice %get3A_1 {offsets = [0, 0], sizes = [1, 64], strides = [1, 1]} : vector<2x64xf32> to vector<1x64xf32>
    %mul3A = arith.constant 2.000000e-05 : f32
    %mul3A_2 = vector.broadcast %mul3A : f32 to vector<1x64xf32>
    %mul3A_3 = arith.mulf %slice3A, %mul3A_2 : vector<1x64xf32>
    %slice3A_4 = vector.extract_strided_slice %get3A_1 {offsets = [1, 0], sizes = [1, 64], strides = [1, 1]} : vector<2x64xf32> to vector<1x64xf32>
    %mul3A_5 = arith.constant 2.000000e-05 : f32
    %mul3A_6 = vector.broadcast %mul3A_5 : f32 to vector<1x64xf32>
    %mul3A_7 = arith.mulf %slice3A_4, %mul3A_6 : vector<1x64xf32>
    %mul3A_8 = arith.mulf %mul3A_3, %mul3A_3 : vector<1x64xf32>
    %sub3A = arith.subf %mul3A_7, %mul3A_8 : vector<1x64xf32>
    %add3A = arith.constant 9.99999974E-6 : f32
    %add3A_9 = vector.broadcast %add3A : f32 to vector<1x64xf32>
    %add3A_10 = arith.addf %sub3A, %add3A_9 : vector<1x64xf32>
    %rsqrt3A = math.rsqrt %add3A_10 : vector<1x64xf32>
    %get3A_11 = arith.constant 0 : index
    %get3A_12 = arith.constant 0 : index
    %get3A_13 = vector.load %arg3[%get3A_11, %get3A_12] : memref<1x64xf32, #tpu.memory_space<vmem>>, vector<1x64xf32>
    %mul3A_14 = arith.mulf %rsqrt3A, %get3A_13 : vector<1x64xf32>
    %get3A_15 = arith.constant 0 : index
    %get3A_16 = arith.constant 0 : index
    %get3A_17 = vector.load %arg1[%get3A_15, %get3A_16] : memref<2000x64xf32, #tpu.memory_space<vmem>>, vector<2000x64xf32>
    %sub3A_18 = vector.broadcast %mul3A_3 : vector<1x64xf32> to vector<2000x64xf32>
    %sub3A_19 = arith.subf %get3A_17, %sub3A_18 : vector<2000x64xf32>
    %mul3A_20 = vector.broadcast %mul3A_14 : vector<1x64xf32> to vector<2000x64xf32>
    %mul3A_21 = arith.mulf %sub3A_19, %mul3A_20 : vector<2000x64xf32>
    %get3A_22 = arith.constant 0 : index
    %get3A_23 = arith.constant 0 : index
    %get3A_24 = vector.load %arg4[%get3A_22, %get3A_23] : memref<1x64xf32, #tpu.memory_space<vmem>>, vector<1x64xf32>
    %add3A_25 = vector.broadcast %get3A_24 : vector<1x64xf32> to vector<2000x64xf32>
    %add3A_26 = arith.addf %mul3A_21, %add3A_25 : vector<2000x64xf32>
    %max3A = arith.constant 0.000000e+00 : f32
    %max3A_27 = vector.broadcast %max3A : f32 to vector<2000x64xf32>
    %max3A_28 = arith.maximumf %add3A_26, %max3A_27 : vector<2000x64xf32>
    %swap3A = arith.constant 0 : index
    %swap3A_29 = arith.constant 0 : index
    %swap3A_30 = vector.load %arg5[%swap3A, %swap3A_29] : memref<2000x64xf32, #tpu.memory_space<vmem>>, vector<2000x64xf32>
    tpu.vector_store %arg5[%swap3A, %swap3A_29], %max3A_28 {strides = array<i32>} : memref<2000x64xf32, #tpu.memory_space<vmem>>, vector<2000x64xf32>,
    return
  }
  func.func @transform_0(%arg0: i32) -> (i32, i32) {
    %c0_i32 = arith.constant 0 : i32
    %c0_i32_0 = arith.constant 0 : i32
    return %arg0, %c0_i32 : i32, i32
  }
  func.func @transform_1(%arg0: i32) -> (i32, i32) {
    %c0_i32 = arith.constant 0 : i32
    %c0_i32_0 = arith.constant 0 : i32
    %c0_i32_1 = arith.constant 0 : i32
    return %c0_i32, %c0_i32_0 : i32, i32
  }
  func.func @transform_2(%arg0: i32) -> (i32, i32) {
    %c0_i32 = arith.constant 0 : i32
    %c0_i32_0 = arith.constant 0 : i32
    %c0_i32_1 = arith.constant 0 : i32
    return %c0_i32, %c0_i32_0 : i32, i32
  }
  func.func @transform_3(%arg0: i32) -> (i32, i32) {
    %c0_i32 = arith.constant 0 : i32
    %c0_i32_0 = arith.constant 0 : i32
    %c0_i32_1 = arith.constant 0 : i32
    return %c0_i32, %c0_i32_0 : i32, i32
  }
  func.func @transform_4(%arg0: i32) -> (i32, i32) {
    %c0_i32 = arith.constant 0 : i32
    %c0_i32_0 = arith.constant 0 : i32
    return %arg0, %c0_i32 : i32, i32
  }
}

module attributes {stable_mosaic.version = 14 : i64} {
  func.func @_bn_relu_pool_body(%arg0: i32, %arg1: memref<2000x64xf32, #tpu.memory_space<vmem>>, %arg2: memref<2x64xf32, #tpu.memory_space<vmem>>, %arg3: memref<1x64xf32, #tpu.memory_space<vmem>>, %arg4: memref<1x64xf32, #tpu.memory_space<vmem>>, %arg5: memref<2000x1xi32, #tpu.memory_space<vmem>>, %arg6: memref<512x64xf32, #tpu.memory_space<vmem>>, %arg7: memref<512x1xf32, #tpu.memory_space<vmem>>) attributes {dimension_semantics = [#tpu.dimension_semantics<arbitrary>], iteration_bounds = array<i64: 25>, scalar_prefetch = 0 : i64, scratch_operands = 0 : i64, tpu.core_type = #tpu.core_type<tc>, window_params = [{transform_indices = @transform_0, window_bounds = array<i64: 2000, 64>}, {pipeline_mode = #tpu.pipeline_mode<synchronous>, transform_indices = @transform_1, window_bounds = array<i64: 2, 64>}, {pipeline_mode = #tpu.pipeline_mode<synchronous>, transform_indices = @transform_2, window_bounds = array<i64: 1, 64>}, {pipeline_mode = #tpu.pipeline_mode<synchronous>, transform_indices = @transform_3, window_bounds = array<i64: 1, 64>}, {transform_indices = @transform_4, window_bounds = array<i64: 2000, 1>}, {pipeline_mode = #tpu.pipeline_mode<synchronous>, transform_indices = @transform_5, window_bounds = array<i64: 512, 64>}, {pipeline_mode = #tpu.pipeline_mode<synchronous>, transform_indices = @transform_6, window_bounds = array<i64: 512, 1>}]} {
    %get3A = arith.constant 0 : index
    %get3A_0 = arith.constant 0 : index
    %get3A_1 = vector.load %arg2[%get3A, %get3A_0] : memref<2x64xf32, #tpu.memory_space<vmem>>, vector<2x64xf32>
    %slice3A = vector.extract_strided_slice %get3A_1 {offsets = [0, 0], sizes = [1, 64], strides = [1, 1]} : vector<2x64xf32> to vector<1x64xf32>
    %mul3A = arith.constant 2.000000e-05 : f32
    %mul3A_2 = vector.broadcast %mul3A : f32 to vector<1x64xf32>
    %mul3A_3 = arith.mulf %slice3A, %mul3A_2 : vector<1x64xf32>
    %slice3A_4 = vector.extract_strided_slice %get3A_1 {offsets = [1, 0], sizes = [1, 64], strides = [1, 1]} : vector<2x64xf32> to vector<1x64xf32>
    %mul3A_5 = arith.constant 2.000000e-05 : f32
    %mul3A_6 = vector.broadcast %mul3A_5 : f32 to vector<1x64xf32>
    %mul3A_7 = arith.mulf %slice3A_4, %mul3A_6 : vector<1x64xf32>
    %mul3A_8 = arith.mulf %mul3A_3, %mul3A_3 : vector<1x64xf32>
    %sub3A = arith.subf %mul3A_7, %mul3A_8 : vector<1x64xf32>
    %add3A = arith.constant 9.99999974E-6 : f32
    %add3A_9 = vector.broadcast %add3A : f32 to vector<1x64xf32>
    %add3A_10 = arith.addf %sub3A, %add3A_9 : vector<1x64xf32>
    %rsqrt3A = math.rsqrt %add3A_10 : vector<1x64xf32>
    %get3A_11 = arith.constant 0 : index
    %get3A_12 = arith.constant 0 : index
    %get3A_13 = vector.load %arg3[%get3A_11, %get3A_12] : memref<1x64xf32, #tpu.memory_space<vmem>>, vector<1x64xf32>
    %mul3A_14 = arith.mulf %rsqrt3A, %get3A_13 : vector<1x64xf32>
    %get3A_15 = arith.constant 0 : index
    %get3A_16 = arith.constant 0 : index
    %get3A_17 = vector.load %arg1[%get3A_15, %get3A_16] : memref<2000x64xf32, #tpu.memory_space<vmem>>, vector<2000x64xf32>
    %sub3A_18 = vector.broadcast %mul3A_3 : vector<1x64xf32> to vector<2000x64xf32>
    %sub3A_19 = arith.subf %get3A_17, %sub3A_18 : vector<2000x64xf32>
    %mul3A_20 = vector.broadcast %mul3A_14 : vector<1x64xf32> to vector<2000x64xf32>
    %mul3A_21 = arith.mulf %sub3A_19, %mul3A_20 : vector<2000x64xf32>
    %get3A_22 = arith.constant 0 : index
    %get3A_23 = arith.constant 0 : index
    %get3A_24 = vector.load %arg4[%get3A_22, %get3A_23] : memref<1x64xf32, #tpu.memory_space<vmem>>, vector<1x64xf32>
    %add3A_25 = vector.broadcast %get3A_24 : vector<1x64xf32> to vector<2000x64xf32>
    %add3A_26 = arith.addf %mul3A_21, %add3A_25 : vector<2000x64xf32>
    %max3A = arith.constant 0.000000e+00 : f32
    %max3A_27 = vector.broadcast %max3A : f32 to vector<2000x64xf32>
    %max3A_28 = arith.maximumf %add3A_26, %max3A_27 : vector<2000x64xf32>
    %iota3A = tpu.iota {dimensions = array<i32: 1>} : vector<1x512xi32>
    %get3A_29 = arith.constant 0 : index
    %get3A_30 = arith.constant 0 : index
    %get3A_31 = vector.load %arg5[%get3A_29, %get3A_30] : memref<2000x1xi32, #tpu.memory_space<vmem>>, vector<2000x1xi32>
    %eq3A = vector.broadcast %get3A_31 : vector<2000x1xi32> to vector<2000x512xi32>
    %eq3A_32 = vector.broadcast %iota3A : vector<1x512xi32> to vector<2000x512xi32>
    %eq3A_33 = arith.cmpi eq, %eq3A, %eq3A_32 : vector<2000x512xi32>
    %convert_element_type3A = arith.extui %eq3A_33 : vector<2000x512xi1> to vector<2000x512xi32>
    %convert_element_type3A_34 = arith.sitofp %convert_element_type3A : vector<2000x512xi32> to vector<2000x512xf32>
    %eq3A_35 = arith.constant 0 : i32
    %eq3A_36 = arith.cmpi eq, %arg0, %eq3A_35 : i32
    %convert_element_type3A_37 = arith.extui %eq3A_36 : i1 to i32
    %cond3A = arith.constant 0 : i32
    %cond3A_38 = arith.cmpi ne, %convert_element_type3A_37, %cond3A : i32
    scf.if %cond3A_38 {
      %broadcast_in_dim3A_54 = arith.constant 0.000000e+00 : f32
      %broadcast_in_dim3A_55 = vector.broadcast %broadcast_in_dim3A_54 : f32 to vector<512x64xf32>
      %swap3A_56 = arith.constant 0 : index
      %swap3A_57 = arith.constant 0 : index
      %swap3A_58 = vector.load %arg6[%swap3A_56, %swap3A_57] : memref<512x64xf32, #tpu.memory_space<vmem>>, vector<512x64xf32>
      tpu.vector_store %arg6[%swap3A_56, %swap3A_57], %broadcast_in_dim3A_55 {strides = array<i32>} : memref<512x64xf32, #tpu.memory_space<vmem>>, vector<512x64xf32>,
      %broadcast_in_dim3A_59 = arith.constant 0.000000e+00 : f32
      %broadcast_in_dim3A_60 = vector.broadcast %broadcast_in_dim3A_59 : f32 to vector<512x1xf32>
      %swap3A_61 = arith.constant 0 : index
      %swap3A_62 = arith.constant 0 : index
      %swap3A_63 = vector.load %arg7[%swap3A_61, %swap3A_62] : memref<512x1xf32, #tpu.memory_space<vmem>>, vector<512x1xf32>
      tpu.vector_store %arg7[%swap3A_61, %swap3A_62], %broadcast_in_dim3A_60 {strides = array<i32>} : memref<512x1xf32, #tpu.memory_space<vmem>>, vector<512x1xf32>,
    } else {
    }
    %get3A_39 = arith.constant 0 : index
    %get3A_40 = arith.constant 0 : index
    %get3A_41 = vector.load %arg6[%get3A_39, %get3A_40] : memref<512x64xf32, #tpu.memory_space<vmem>>, vector<512x64xf32>
    %dot_general3A = arith.constant dense<0.000000e+00> : vector<512x64xf32>
    %dot_general3A_42 = tpu.matmul %convert_element_type3A_34, %max3A_28, %dot_general3A {dimension_numbers = #tpu.dot_dimension_numbers<[0], [0], [1], [1], [0, 1, 1, 1], [], []>, transpose_lhs_hint = false} : vector<2000x512xf32>, vector<2000x64xf32>, vector<512x64xf32> -> vector<512x64xf32>
    %add3A_43 = arith.addf %get3A_41, %dot_general3A_42 : vector<512x64xf32>
    %swap3A = arith.constant 0 : index
    %swap3A_44 = arith.constant 0 : index
    %swap3A_45 = vector.load %arg6[%swap3A, %swap3A_44] : memref<512x64xf32, #tpu.memory_space<vmem>>, vector<512x64xf32>
    tpu.vector_store %arg6[%swap3A, %swap3A_44], %add3A_43 {strides = array<i32>} : memref<512x64xf32, #tpu.memory_space<vmem>>, vector<512x64xf32>,
    %get3A_46 = arith.constant 0 : index
    %get3A_47 = arith.constant 0 : index
    %get3A_48 = vector.load %arg7[%get3A_46, %get3A_47] : memref<512x1xf32, #tpu.memory_space<vmem>>, vector<512x1xf32>
    %reduce_sum3A = arith.constant dense<0.000000e+00> : vector<512xf32>
    %reduce_sum3A_49 = vector.multi_reduction <add>, %convert_element_type3A_34, %reduce_sum3A [0] : vector<2000x512xf32> to vector<512xf32>
    %broadcast_in_dim3A = vector.shape_cast %reduce_sum3A_49 : vector<512xf32> to vector<1x512xf32>
    %transpose3A = tpu.transpose %broadcast_in_dim3A, [1, 0] : vector<1x512xf32> -> vector<512x1xf32>
    %add3A_50 = arith.addf %get3A_48, %transpose3A : vector<512x1xf32>
    %swap3A_51 = arith.constant 0 : index
    %swap3A_52 = arith.constant 0 : index
    %swap3A_53 = vector.load %arg7[%swap3A_51, %swap3A_52] : memref<512x1xf32, #tpu.memory_space<vmem>>, vector<512x1xf32>
    tpu.vector_store %arg7[%swap3A_51, %swap3A_52], %add3A_50 {strides = array<i32>} : memref<512x1xf32, #tpu.memory_space<vmem>>, vector<512x1xf32>,
    return
  }
  func.func @transform_0(%arg0: i32) -> (i32, i32) {
    %c0_i32 = arith.constant 0 : i32
    %c0_i32_0 = arith.constant 0 : i32
    return %arg0, %c0_i32 : i32, i32
  }
  func.func @transform_1(%arg0: i32) -> (i32, i32) {
    %c0_i32 = arith.constant 0 : i32
    %c0_i32_0 = arith.constant 0 : i32
    %c0_i32_1 = arith.constant 0 : i32
    return %c0_i32, %c0_i32_0 : i32, i32
  }
  func.func @transform_2(%arg0: i32) -> (i32, i32) {
    %c0_i32 = arith.constant 0 : i32
    %c0_i32_0 = arith.constant 0 : i32
    %c0_i32_1 = arith.constant 0 : i32
    return %c0_i32, %c0_i32_0 : i32, i32
  }
  func.func @transform_3(%arg0: i32) -> (i32, i32) {
    %c0_i32 = arith.constant 0 : i32
    %c0_i32_0 = arith.constant 0 : i32
    %c0_i32_1 = arith.constant 0 : i32
    return %c0_i32, %c0_i32_0 : i32, i32
  }
  func.func @transform_4(%arg0: i32) -> (i32, i32) {
    %c0_i32 = arith.constant 0 : i32
    %c0_i32_0 = arith.constant 0 : i32
    return %arg0, %c0_i32 : i32, i32
  }
  func.func @transform_5(%arg0: i32) -> (i32, i32) {
    %c0_i32 = arith.constant 0 : i32
    %c0_i32_0 = arith.constant 0 : i32
    %c0_i32_1 = arith.constant 0 : i32
    return %c0_i32, %c0_i32_0 : i32, i32
  }
  func.func @transform_6(%arg0: i32) -> (i32, i32) {
    %c0_i32 = arith.constant 0 : i32
    %c0_i32_0 = arith.constant 0 : i32
    %c0_i32_1 = arith.constant 0 : i32
    return %c0_i32, %c0_i32_0 : i32, i32
  }
}

module attributes {stable_mosaic.version = 14 : i64} {
  func.func @_pool_proj_body(%arg0: i32, %arg1: memref<512x64xf32, #tpu.memory_space<vmem>>, %arg2: memref<512x1xf32, #tpu.memory_space<vmem>>, %arg3: memref<64x128xf32, #tpu.memory_space<vmem>>, %arg4: memref<1x128xf32, #tpu.memory_space<vmem>>, %arg5: memref<512x128xf32, #tpu.memory_space<vmem>>) attributes {dimension_semantics = [#tpu.dimension_semantics<arbitrary>], iteration_bounds = array<i64: 1>, scalar_prefetch = 0 : i64, scratch_operands = 0 : i64, tpu.core_type = #tpu.core_type<tc>, window_params = [{pipeline_mode = #tpu.pipeline_mode<synchronous>, transform_indices = @transform_0, window_bounds = array<i64: 512, 64>}, {pipeline_mode = #tpu.pipeline_mode<synchronous>, transform_indices = @transform_1, window_bounds = array<i64: 512, 1>}, {pipeline_mode = #tpu.pipeline_mode<synchronous>, transform_indices = @transform_2, window_bounds = array<i64: 64, 128>}, {pipeline_mode = #tpu.pipeline_mode<synchronous>, transform_indices = @transform_3, window_bounds = array<i64: 1, 128>}, {pipeline_mode = #tpu.pipeline_mode<synchronous>, transform_indices = @transform_4, window_bounds = array<i64: 512, 128>}]} {
    %get3A = arith.constant 0 : index
    %get3A_0 = arith.constant 0 : index
    %get3A_1 = vector.load %arg1[%get3A, %get3A_0] : memref<512x64xf32, #tpu.memory_space<vmem>>, vector<512x64xf32>
    %get3A_2 = arith.constant 0 : index
    %get3A_3 = arith.constant 0 : index
    %get3A_4 = vector.load %arg2[%get3A_2, %get3A_3] : memref<512x1xf32, #tpu.memory_space<vmem>>, vector<512x1xf32>
    %max3A = arith.constant 1.000000e+00 : f32
    %max3A_5 = vector.broadcast %max3A : f32 to vector<512x1xf32>
    %max3A_6 = arith.maximumf %get3A_4, %max3A_5 : vector<512x1xf32>
    %div3A = vector.broadcast %max3A_6 : vector<512x1xf32> to vector<512x64xf32>
    %div3A_7 = arith.divf %get3A_1, %div3A : vector<512x64xf32>
    %get3A_8 = arith.constant 0 : index
    %get3A_9 = arith.constant 0 : index
    %get3A_10 = vector.load %arg3[%get3A_8, %get3A_9] : memref<64x128xf32, #tpu.memory_space<vmem>>, vector<64x128xf32>
    %dot_general3A = arith.constant dense<0.000000e+00> : vector<512x128xf32>
    %dot_general3A_11 = tpu.matmul %div3A_7, %get3A_10, %dot_general3A {dimension_numbers = #tpu.dot_dimension_numbers<[1], [0], [0], [1], [0, 0, 1, 1], [], []>, transpose_lhs_hint = false} : vector<512x64xf32>, vector<64x128xf32>, vector<512x128xf32> -> vector<512x128xf32>
    %get3A_12 = arith.constant 0 : index
    %get3A_13 = arith.constant 0 : index
    %get3A_14 = vector.load %arg4[%get3A_12, %get3A_13] : memref<1x128xf32, #tpu.memory_space<vmem>>, vector<1x128xf32>
    %add3A = vector.broadcast %get3A_14 : vector<1x128xf32> to vector<512x128xf32>
    %add3A_15 = arith.addf %dot_general3A_11, %add3A : vector<512x128xf32>
    %swap3A = arith.constant 0 : index
    %swap3A_16 = arith.constant 0 : index
    %swap3A_17 = vector.load %arg5[%swap3A, %swap3A_16] : memref<512x128xf32, #tpu.memory_space<vmem>>, vector<512x128xf32>
    tpu.vector_store %arg5[%swap3A, %swap3A_16], %add3A_15 {strides = array<i32>} : memref<512x128xf32, #tpu.memory_space<vmem>>, vector<512x128xf32>,
    return
  }
  func.func @transform_0(%arg0: i32) -> (i32, i32) {
    %c0_i32 = arith.constant 0 : i32
    %c0_i32_0 = arith.constant 0 : i32
    %c0_i32_1 = arith.constant 0 : i32
    return %c0_i32, %c0_i32_0 : i32, i32
  }
  func.func @transform_1(%arg0: i32) -> (i32, i32) {
    %c0_i32 = arith.constant 0 : i32
    %c0_i32_0 = arith.constant 0 : i32
    %c0_i32_1 = arith.constant 0 : i32
    return %c0_i32, %c0_i32_0 : i32, i32
  }
  func.func @transform_2(%arg0: i32) -> (i32, i32) {
    %c0_i32 = arith.constant 0 : i32
    %c0_i32_0 = arith.constant 0 : i32
    %c0_i32_1 = arith.constant 0 : i32
    return %c0_i32, %c0_i32_0 : i32, i32
  }
  func.func @transform_3(%arg0: i32) -> (i32, i32) {
    %c0_i32 = arith.constant 0 : i32
    %c0_i32_0 = arith.constant 0 : i32
    %c0_i32_1 = arith.constant 0 : i32
    return %c0_i32, %c0_i32_0 : i32, i32
  }
  func.func @transform_4(%arg0: i32) -> (i32, i32) {
    %c0_i32 = arith.constant 0 : i32
    %c0_i32_0 = arith.constant 0 : i32
    %c0_i32_1 = arith.constant 0 : i32
    return %c0_i32, %c0_i32_0 : i32, i32
  }
}

</mosaic_0001>

<sc_bundles>
// kernel: kernel.17.cloned.1.call-start
scs
__scs_entry_jumppad:
0x0: {  	(pc) =	sbr.rel $0x88, $3  }
0x1: {  	(tag) =	ssettag $0x0;
	lr =	simm.s32 $0x1  }
0x2: {  	[smem:$0x3F7F] =	sst lr;
	_ =	strace $0xD0000000  }
0x3: {  	_ = 	snop  }
0x4: {  	_ = 	snop  }
0x5: {  	_ = 	snop  }
0x6: {  	_ = 	snop  }
0x7: {  	_ = 	snop  }
__scs_overlays_trampoline_lowered:
0x8: {  	[smem:$0x3F8E] =	sst s0  }
0x9: {  	[smem:$0x3F8F] =	sst s1  }
0xa: {  	[smem:$0x3F90] =	sst s2  }
0xb: {  	[smem:$0x3F91] =	sst s3  }
0xc: {  	[smem:$0x3F92] =	sst s4  }
0xd: {  	[smem:$0x3F93] =	sst s5  }
0xe: {  	[smem:$0x3F94] =	sst s6  }
0xf: {  	[smem:$0x3F95] =	sst s7  }
0x10: {  	[smem:$0x3F96] =	sst s8  }
0x11: {  	[smem:$0x3F97] =	sst s9;
	s0 =	simm.s32 @!p0 $0x0  }
0x12: {  	s1 =	sld [smem:$0x3F7D];
	s0 =	simm.s32 @p0 $0x1  }
0x13: {  	[smem:$0x3F98] =	sst s0;
	s0 =	simm.s32 @!p1 $0x0  }
0x14: {  	s2 =	sld [smem:$0x3F7C];
	s0 =	simm.s32 @p1 $0x1  }
0x15: {  	[smem:$0x3F99] =	sst s0;
	s0 =	simm.s32 @!p2 $0x0  }
0x16: {  	s3 =	sld [smem:$0x3FDB];
	s0 =	simm.s32 @p2 $0x1  }
0x17: {  	s4 =	simm.s32 $0x1BF5;
	[smem:$0x3F9B] =	sst s0  }
0x18: {  	s0 =	sld [smem:$0x3F7E];
	_ =	swait.ge [sflag:s4], $0x0  }
0x19: {  	s7 =	sld [smem:$0x3F7F]  }
0x1a: {  	s8 =	sadd.s32 $0xFFFFE003, lr  }
0x1b: {  	s9 =	sadd.s32 $0xFFFFFEF7, lr;
	s5 =	simm.s32 $0xFFFFFFFF;
	p2 =	slt.u32 s8, $0xFFFFF086  }
0x1c: {  	p1 =	slt.u32 s9, $0xF7A;
	s5 =	simm.s32 @!p2 $0x0  }
0x1d: {  	s5 =	simm.s32 @p1 $0x1;
	p0 =	seq.s32 s7, s2  }
0x1e: {  	s7 =	smul.u32 @!p0 $0xF7A, s2;
	p2 =	seq.s32 @!p0 s5, $0x0  }
0x1f: {  	s9 =	smul.u32 $0xF7A, s1;
	s8 =	simm.s32 @!p0 $0x1BF5;
	p2 =	por !p2, p0  }
0x20: {  	[sflag:s8] =	ssyncset.s32 @!p0 $0xFFFFF086;
	s6 =	sadd.s32 @!p0 s3, s7;
	s7 =	simm.s32 @!p0 $0x108  }
0x21: {  	s3 =	sadd.s32 s3, s9;
	s6 =	sadd.s32 @!p0 $0x88, s6;
	s7 =	simm.s32 @p2 $0x1082  }
0x22: {  	[simem:s7], [sflag:s8] =	dma.local @!p0 [hbm:s6], $0xF7A  }
0x23: {  	s9 =	sor.u32 $0xD0000000, s2;
	s6 =	simm.s32 $0x108;
	_ =	swait.ge @!p0 [sflag:s8], $0x0  }
0x24: {  	s3 =	sadd.s32 $0x88, s3;
	s6 =	simm.s32 @!p1 $0x1082;
	[sflag:s4] =	ssyncset.s32 $0xFFFFF086  }
0x25: {  	[simem:s6], [sflag:s4] =	dma.local [hbm:s3], $0xF7A  }
0x26: {  	[smem:$0x3F7F] =	sst s1;
	(tag) =	ssettag s2;
	_ =	strace s9  }
0x27: {  	s1 =	sld [smem:$0x3F8F]  }
0x28: {  	s2 =	sld [smem:$0x3F90]  }
0x29: {  	s4 =	sld [smem:$0x3F92]  }
0x2a: {  	p0 =	seq.s32 s5, $0x0;
	s5 =	sld [smem:$0x3F93]  }
0x2b: {  	s6 =	sld [smem:$0x3F94]  }
0x2c: {  	s7 =	sld [smem:$0x3F95]  }
0x2d: {  	s3 =	simm.s32 $0x108;
	s8 =	sld [smem:$0x3F96]  }
0x2e: {  	s3 =	simm.s32 @!p0 $0x1082;
	s9 =	sld [smem:$0x3F97]  }
0x2f: {  	lr =	sadd.s32 s0, s3;
	s0 =	sld [smem:$0x3F8E]  }
0x30: {  	s3 =	sld [smem:$0x3F91]  }
0x31: {  	[smem:$0x3F9A] =	sst s10  }
0x32: {  	s10 =	sld [smem:$0x3F98];
	_ =	sdelay $0x3  }
0x33: {  	p0 =	seq.s32 s10, $0x1;
	s10 =	sld [smem:$0x3F9A];
	_ =	sdelay $0x3  }
0x34: {  	[smem:$0x3F9A] =	sst s10  }
0x35: {  	s10 =	sld [smem:$0x3F99];
	_ =	sdelay $0x3  }
0x36: {  	p1 =	seq.s32 s10, $0x1;
	s10 =	sld [smem:$0x3F9A];
	_ =	sdelay $0x3  }
0x37: {  	[smem:$0x3F9A] =	sst s10  }
0x38: {  	s10 =	sld [smem:$0x3F9B]  }
0x39: {  	_ = 	snop;
	(pc) =	sbr.ind lr, $3  }
0x3a: {  	_ = 	snop  }
0x3b: {  	_ = 	snop  }
0x3c: {  	p2 =	seq.s32 s10, $0x1;
	s10 =	sld [smem:$0x3F9A]  }
0x3d: {  	_ =	shalt  }
0x3e: {  	_ =	shalt  }
0x3f: {  	_ =	shalt  }
0x40: {  	_ =	shalt  }
0x41: {  	_ =	shalt  }
0x42: {  	_ =	shalt  }
0x43: {  	_ =	shalt  }
0x44: {  	_ =	shalt  }
0x45: {  	_ =	shalt  }
0x46: {  	_ =	shalt  }
0x47: {  	_ =	shalt  }
0x48: {  	_ =	shalt  }
0x49: {  	_ =	shalt  }
0x4a: {  	_ =	shalt  }
0x4b: {  	_ =	shalt  }
0x4c: {  	_ =	shalt  }
0x4d: {  	_ =	shalt  }
0x4e: {  	_ =	shalt  }
0x4f: {  	_ =	shalt  }
0x50: {  	_ =	shalt  }
0x51: {  	_ =	shalt  }
0x52: {  	_ =	shalt  }
0x53: {  	_ =	shalt  }
0x54: {  	_ =	shalt  }
0x55: {  	_ =	shalt  }
0x56: {  	_ =	shalt  }
0x57: {  	_ =	shalt  }
0x58: {  	_ =	shalt  }
0x59: {  	_ =	shalt  }
0x5a: {  	_ =	shalt  }
0x5b: {  	_ =	shalt  }
0x5c: {  	_ =	shalt  }
0x5d: {  	_ =	shalt  }
0x5e: {  	_ =	shalt  }
0x5f: {  	_ =	shalt  }
0x60: {  	_ =	shalt  }
0x61: {  	_ =	shalt  }
0x62: {  	_ =	shalt  }
0x63: {  	_ =	shalt  }
0x64: {  	_ =	shalt  }
0x65: {  	_ =	shalt  }
0x66: {  	_ =	shalt  }
0x67: {  	_ =	shalt  }
0x68: {  	_ =	shalt  }
0x69: {  	_ =	shalt  }
0x6a: {  	_ =	shalt  }
0x6b: {  	_ =	shalt  }
0x6c: {  	_ =	shalt  }
0x6d: {  	_ =	shalt  }
0x6e: {  	_ =	shalt  }
0x6f: {  	_ =	shalt  }
0x70: {  	_ =	shalt  }
0x71: {  	_ =	shalt  }
0x72: {  	_ =	shalt  }
0x73: {  	_ =	shalt  }
0x74: {  	_ =	shalt  }
0x75: {  	_ =	shalt  }
0x76: {  	_ =	shalt  }
0x77: {  	_ =	shalt  }
0x78: {  	_ =	shalt  }
0x79: {  	_ =	shalt  }
0x7a: {  	_ =	shalt  }
0x7b: {  	_ =	shalt  }
0x7c: {  	_ =	shalt  }
0x7d: {  	_ =	shalt  }
0x7e: {  	_ =	shalt  }
0x7f: {  	_ =	shalt  }
0x80: {  	_ =	shalt  }
0x81: {  	_ =	shalt  }
0x82: {  	_ =	shalt  }
0x83: {  	_ =	shalt  }
0x84: {  	_ =	shalt  }
0x85: {  	_ =	shalt  }
0x86: {  	_ =	shalt  }
0x87: {  	_ =	shalt  }
.Lfunc_end0:
.L_simem_size_0:
called_computation_lowered:
.L_overlay_start_0:
0x88: {  	s2 =	sld [smem:$0x3FD9]  }
0x89: {  	s3 =	sld [smem:$0x3FFE];
	_ =	sdelay $0x1  }
0x8a: {  	s1 =	srdreg.scid  }
0x8b: {  	s0 =	sand.u32 $0x1, s1  }
0x8c: {  	s16 =	sshll.u32 s0, $0xA;
	s2 =	sadd.s32 s3, s2  }
0x8d: {  	s2 =	sadd.s32 s2, s16  }
0x8e: {  	[smem:$0x3FA6] =	sst s2  }
0x8f: {  	_ = 	snop  }
0x90: {  	(tm) =	ssettm $0x1  }
0x91: {  	s17 =	sld [smem:$0x3FFB];
	_ =	sdelay $0x3  }
0x92: {  	_ =	strace s17  }
0x93: {  	s2 =	sld [smem:$0x3FFC];
	_ =	sdelay $0x3  }
0x94: {  	_ =	strace s2  }
0x95: {  	s2 =	sld [smem:$0x3FFD];
	_ =	sdelay $0x3  }
0x96: {  	_ =	strace s2  }
0x97: {  	_ =	strace $0x8FFFFFFF  }
0x98: {  	s18 =	sld [smem:$0x3FDB];
	_ =	sdelay $0x1  }
0x99: {  	s19 =	simm.s32 $_scs_section_size  }
0x9a: {  	s4 =	simm.s32 $_size__tile_overlayer_lowered;
	s5 =	simm.s32 $_tile_overlayer_lowered  }
0x9b: {  	s22 =	simm.s32 $0x1BFF;
	s21 =	sshll.u32 s5, $0x1;
	s2 =	sadd.s32 s19, s18  }
0x9c: {  	s6 =	simm.s32 $0x0;
	s20 =	sshll.u32 s4, $0x1;
	s4 =	sadd.s32 s21, s2  }
0x9d: {  	[timem:s6], [sflag:s22] =	dma.local [hbm:s4], s20  }
0x9e: {  	_ =	swait.ge [sflag:s22], s20  }
0x9f: {  	s3 =	ssub.s32 $0x0, s20;
	[sflag:s22] =	ssyncset.done $0x0  }
0xa0: {  	[sflag:s22] =	ssyncadd.s32 s3;
	_ =	sdelay $0x1  }
0xa1: {  	s23 =	simm.s32 $0x1B8B  }
0xa2: {  	_ =	swait.ge [sflag:s23], $0x1  }
0xa3: {  	[sflag:s23] =	ssyncset.done $0x0  }
0xa4: {  	s25 =	simm.s32 $0x1B8E;
	s24 =	sld [smem:$0x3FFE];
	[sflag:s23] =	ssyncadd.s32 $0xFFFFFFFF  }
0xa5: {  	s26 =	simm.s32 $execute0_lowered;
	[smem:$0x3FD2] =	sst s25  }
0xa6: {  	s4 =	sshll.u32 s26, $0x1;
	_ =	strace $0x80000046;
	[dreg:$0x1] =	wrdreg $0xFFFFFFFF  }
0xa7: {  	s28 =	simm.s32 $_size_execute0_lowered;
	s2 =	sadd.s32 s2, s4;
	[dreg:$0x0] =	wrdreg $0x0  }
0xa8: {  	s4 =	sshll.u32 s28, $0x1;
	[dreg:$0x2] =	wrdreg s2  }
0xa9: {  	[dreg:$0x3] =	wrdreg s4  }
0xaa: {  	[dreg:$0x4] =	wrdreg $0xC0  }
0xab: {  	_ =	task [dreg:s6], $0x5FFFF  }
0xac: {  	[dreg:$0x1] =	wrdreg $0xFFFFFFFF  }
0xad: {  	[dreg:$0x0] =	wrdreg $0x60  }
0xae: {  	[dreg:$0x2] =	wrdreg s24  }
0xaf: {  	[dreg:$0x3] =	wrdreg $0x0  }
0xb0: {  	[dreg:$0x4] =	wrdreg $0x9  }
0xb1: {  	_ =	task.clear_ibuf [dreg:s6], $0x5FFFF;
	_ =	strace $0x90000046  }
0xb2: {  	s29 =	simm.s32 $0x9;
	_ =	strace $0x80000048  }
0xb3: {  	_ =	swait.ge [sflag:s29], $0x1  }
0xb4: {  	[sflag:s29] =	ssyncadd.s32 $0xFFFFFFFF  }
0xb5: {  	_ =	strace $0x90000048  }
0xb6: {  	_ =	sfence  }
0xb7: {  	s30 =	sld [smem:$0x0];
	_ =	sdelay $0x2  }
0xb8: {  	s31 =	sshll.u32 s1, $0xD;
	s1 =	sshrl.u32 s1, $0x2  }
0xb9: {  	s3 =	sand.u32 $0x4000, s31;
	s1 =	sadd.s32 s1, s30  }
0xba: {  	s0 =	sor.u32 s3, s0;
	s1 =	sshll.u32 s1, $0x11  }
0xbb: {  	s0 =	sor.u32 s1, s0  }
0xbc: {  	s0 =	sadd.s32 $0x8F2B, s0  }
0xbd: {  	[sflag:s0] =	ssyncadd.remote.s32 $0x1  }
0xbe: {  	_ =	sfence.sel $0xFFFF  }
0xbf: {  	[dreg:$0x0] =	wrdreg $0xFFFFFFFF;
	(pc) =	sbr.abs _section_cstart, $3  }
0xc0: {  	[dreg:$0x1] =	wrdreg $0xFFFFFFFF  }
0xc1: {  	_ =	task.clear_ibuf [dreg:s6], $0x2FFFF;
	_ =	strace $0x9FFFFFFF  }
0xc2: {  	(tm) =	ssettm $0x7FFFFFFF  }
0xc3: {  	_ =	shalt  }
tec
execute0_lowered:
.L_overlay_start_1:
0x0: {  	(tag) =	ssettag $0x1  }
0x1: {  	s0 =	rddreg [dreg:$0x0]  }
0x2: {  	s1 =	rddreg [dreg:$0x1]  }
0x3: {  	s2 =	simm.s32 $0x0;
	s3 =	srdreg.scid;
	s13 =	stileid.u32  }
0x4: {  	s29 =	simm.s32 $0x1C980;
	s30 =	simm.s32 $0x2;
	s31 =	simm.s32 $0x18800  }
0x5: {  	[smem:$0x7FF] =	sst s2;
	s4 =	sadd.s32 $0x656600, s0;
	s5 =	sadd.s32 $0x36600, s0  }
0x6: {  	s3 =	sand.u32 $0x1, s3;
	s8 =	smul.u32 $0x62000, s13;
	s7 =	sadd.s32 $0x6B8200, s0  }
0x7: {  	s6 =	sadd.s32 $0x5600, s0;
	s0 =	sadd.s32 $0x7DD200, s0;
	s17 =	smul.u32 $0x3E8, s13  }
0x8: {  	s18 =	sor.u32 $0x10, s13;
	s9 =	ssub.s32 $0x2, s3;
	s11 =	smul.u32 $0x61A8, s3  }
0x9: {  	_ =	strace $0x80000047;
	s21 =	smul.u32 $0x3E8, s18;
	s10 =	sshrl.u32 s9, $0x1  }
0xa: {  	s24 =	smul.u32 $0x3E800, s18;
	s8 =	sshrl.u32 s8, $0x2;
	s10 =	ssub.s32 s9, s10  }
0xb: {  	p0 =	sgt.u32 s18, $0x18;
	s8 =	sadd.s32 s8, s1;
	s14 =	smax.u32 s10, $0x1  }
0xc: {  	s9 =	smul.u32 $0xC400, s13;
	s15 =	sadd.s32 $0x1C00, s8;
	[dreg:$0x3] =	wrdreg s14  }
0xd: {  	s3 =	sadd.s32 s11, s17;
	s16 =	sadd.s32 $0x3800, s8;
	[dreg:$0x4] =	wrdreg s15  }
0xe: {  	s13 =	smul.u32 $0x3E800, s13;
	s12 =	sadd.s32 $0x5400, s8;
	[dreg:$0x5] =	wrdreg s16  }
0xf: {  	s26 =	sshrl.u32 s24, $0x2;
	s20 =	sadd.s32 $0x7000, s8;
	[dreg:$0x6] =	wrdreg s12  }
0x10: {  	s22 =	sadd.s32 $0xA800, s8;
	s23 =	sadd.s32 $0xC400, s8;
	[dreg:$0x7] =	wrdreg s20  }
0x11: {  	s3 =	sshll.u32 s3, $0x3;
	s28 =	sadd.s32 $0x16C00, s8;
	[dreg:$0x9] =	wrdreg s22  }
0x12: {  	s10 =	simm.s32 $0x18980;
	s14 =	sadd.s32 $0x8C00, s8;
	[dreg:$0xa] =	wrdreg s23  }
0x13: {  	s12 =	sadd.s32 s11, s21;
	s15 =	sadd.s32 $0xE000, s8;
	s19 =	sadd.s32 s0, s3  }
0x14: {  	s21 =	sadd.s32 $0xFC00, s8;
	s25 =	sshrl.u32 s13, $0x2;
	s3 =	sadd.s32 s26, s1  }
0x15: {  	v0 =	vmov s11;
	s22 =	sadd.s32 $0x11800, s8;
	s26 =	sadd.s32 $0x15000, s8;
	s11 =	simm.s32 $0x1  }
0x16: {  	s13 =	simm.s32 $0x18900;
	[dreg:$0x8] =	wrdreg s14;
	s12 =	sshll.u32 s12, $0x3  }
0x17: {  	[dreg:$0xb] =	wrdreg s15;
	s24 =	sshrl.u32 @!p0 s3, $0x3;
	s3 =	simm.s32 $0x80  }
0x18: {  	s20 =	sadd.s32 s0, s12;
	s0 =	sadd.s32 s25, s1;
	s25 =	sadd.s32 $0x13400, s8  }
0x19: {  	v1 =	vimm.f32 $0.0e+00;
	s12 =	simm.s32 $0x1A980;
	s23 =	sshrl.u32 s0, $0x3;
	s0 =	simm.s32 $0x18880  }
.LBB2_1:
0x1a: {  	s15 =	simm.s32 $0x100;
	s14 =	simm.s32 $0x0  }
.LBB2_2:
0x1b: {  	p1 =	sne.s32 s15, $0x6F00;
	[tilespmem:s14+$0x1C9B0] =	vst v1;
	s16 =	smov.u32 s15;
	s15 =	sadd.s32 $0x100, s15  }
.Ltmp0:
0x1c: {  	[tilespmem:s14+$0x1C9A0] =	vst v1;
	(pc) =	sbr.rel @p1 .LBB2_2-.Ltmp0, $3  }
0x1d: {  	[tilespmem:s14+$0x1C980] =	vst v1  }
0x1e: {  	[tilespmem:s14+$0x1C990] =	vst v1;
	_ =	sdelay $0x1  }
0x1f: {  	s14 =	sshra.s32 s16, $0x2  }
0x20: {  	[tilespmem:s14+$0x1C9B0] =	vst v1  }
0x21: {  	[tilespmem:s14+$0x1C9A0] =	vst v1  }
0x22: {  	[tilespmem:s14+$0x1C980] =	vst v1  }
0x23: {  	[tilespmem:s14+$0x1C990] =	vst v1  }
0x24: {  	[spmem:s8] =	stream.linear.scatter [tilespmem:s29], [sflag:$0x2], $0x1C00, $0x38;
	[tilespmem:$0x1E580] =	vst v63  }
0x25: {  	_ =	swait.ge [sflag:s30], $0x1C00  }
0x26: {  	[sflag:s30] =	ssyncset.done $0x0  }
0x27: {  	s15 =	rddreg [dreg:$0x4];
	[sflag:s30] =	ssyncadd.s32 $0xFFFFE400  }
0x28: {  	[spmem:s15] =	stream.linear.scatter [tilespmem:s29], [sflag:$0x2], $0x1C00, $0x38;
	[tilespmem:$0x1E580] =	vst v63  }
0x29: {  	_ =	swait.ge [sflag:s30], $0x1C00  }
0x2a: {  	[sflag:s30] =	ssyncset.done $0x0  }
0x2b: {  	s16 =	rddreg [dreg:$0x5];
	[sflag:s30] =	ssyncadd.s32 $0xFFFFE400  }
0x2c: {  	[spmem:s16] =	stream.linear.scatter [tilespmem:s29], [sflag:$0x2], $0x1C00, $0x38;
	[tilespmem:$0x1E580] =	vst v63  }
0x2d: {  	_ =	swait.ge [sflag:s30], $0x1C00  }
0x2e: {  	[sflag:s30] =	ssyncset.done $0x0  }
0x2f: {  	s17 =	rddreg [dreg:$0x6];
	[sflag:s30] =	ssyncadd.s32 $0xFFFFE400  }
0x30: {  	[spmem:s17] =	stream.linear.scatter [tilespmem:s29], [sflag:$0x2], $0x1C00, $0x38;
	[tilespmem:$0x1E580] =	vst v63  }
0x31: {  	_ =	swait.ge [sflag:s30], $0x1C00  }
0x32: {  	[sflag:s30] =	ssyncset.done $0x0  }
0x33: {  	s18 =	rddreg [dreg:$0x7];
	[sflag:s30] =	ssyncadd.s32 $0xFFFFE400  }
0x34: {  	[spmem:s18] =	stream.linear.scatter [tilespmem:s29], [sflag:$0x2], $0x1C00, $0x38;
	[tilespmem:$0x1E580] =	vst v63  }
0x35: {  	_ =	swait.ge [sflag:s30], $0x1C00  }
0x36: {  	[sflag:s30] =	ssyncset.done $0x0  }
0x37: {  	s15 =	rddreg [dreg:$0x8];
	[sflag:s30] =	ssyncadd.s32 $0xFFFFE400  }
0x38: {  	[spmem:s15] =	stream.linear.scatter [tilespmem:s29], [sflag:$0x2], $0x1C00, $0x38;
	[tilespmem:$0x1E580] =	vst v63  }
0x39: {  	_ =	swait.ge [sflag:s30], $0x1C00  }
0x3a: {  	[sflag:s30] =	ssyncset.done $0x0  }
0x3b: {  	s16 =	rddreg [dreg:$0x9];
	[sflag:s30] =	ssyncadd.s32 $0xFFFFE400  }
0x3c: {  	[spmem:s16] =	stream.linear.scatter [tilespmem:s29], [sflag:$0x2], $0x1C00, $0x38;
	[tilespmem:$0x1E580] =	vst v63  }
0x3d: {  	_ =	swait.ge [sflag:s30], $0x1C00  }
0x3e: {  	[sflag:s30] =	ssyncset.done $0x0  }
0x3f: {  	s17 =	rddreg [dreg:$0xa];
	[sflag:s30] =	ssyncadd.s32 $0xFFFFE400  }
0x40: {  	[spmem:s17] =	stream.linear.scatter [tilespmem:s29], [sflag:$0x2], $0x1C00, $0x38;
	[tilespmem:$0x1E580] =	vst v63  }
0x41: {  	_ =	swait.ge [sflag:s30], $0x1C00  }
0x42: {  	[sflag:s30] =	ssyncset.done $0x0  }
0x43: {  	s18 =	rddreg [dreg:$0xb];
	[sflag:s30] =	ssyncadd.s32 $0xFFFFE400  }
0x44: {  	[spmem:s18] =	stream.linear.scatter [tilespmem:s29], [sflag:$0x2], $0x1C00, $0x38;
	[tilespmem:$0x1E580] =	vst v63  }
0x45: {  	_ =	swait.ge [sflag:s30], $0x1C00  }
0x46: {  	[sflag:s30] =	ssyncset.done $0x0  }
0x47: {  	[sflag:s30] =	ssyncadd.s32 $0xFFFFE400  }
0x48: {  	[spmem:s21] =	stream.linear.scatter [tilespmem:s29], [sflag:$0x2], $0x1C00, $0x38;
	[tilespmem:$0x1E580] =	vst v63  }
0x49: {  	_ =	swait.ge [sflag:s30], $0x1C00  }
0x4a: {  	[sflag:s30] =	ssyncset.done $0x0  }
0x4b: {  	[sflag:s30] =	ssyncadd.s32 $0xFFFFE400  }
0x4c: {  	[spmem:s22] =	stream.linear.scatter [tilespmem:s29], [sflag:$0x2], $0x1C00, $0x38;
	[tilespmem:$0x1E580] =	vst v63  }
0x4d: {  	_ =	swait.ge [sflag:s30], $0x1C00  }
0x4e: {  	[sflag:s30] =	ssyncset.done $0x0  }
0x4f: {  	[sflag:s30] =	ssyncadd.s32 $0xFFFFE400  }
0x50: {  	[spmem:s25] =	stream.linear.scatter [tilespmem:s29], [sflag:$0x2], $0x1C00, $0x38;
	[tilespmem:$0x1E580] =	vst v63  }
0x51: {  	_ =	swait.ge [sflag:s30], $0x1C00  }
0x52: {  	[sflag:s30] =	ssyncset.done $0x0  }
0x53: {  	[sflag:s30] =	ssyncadd.s32 $0xFFFFE400  }
0x54: {  	[spmem:s26] =	stream.linear.scatter [tilespmem:s29], [sflag:$0x2], $0x1C00, $0x38;
	[tilespmem:$0x1E580] =	vst v63  }
0x55: {  	_ =	swait.ge [sflag:s30], $0x1C00  }
0x56: {  	[sflag:s30] =	ssyncset.done $0x0  }
0x57: {  	[sflag:s30] =	ssyncadd.s32 $0xFFFFE400  }
0x58: {  	[spmem:s28] =	stream.linear.scatter [tilespmem:s29], [sflag:$0x2], $0x1C00, $0x38;
	[tilespmem:$0x1E580] =	vst v63  }
0x59: {  	_ =	swait.ge [sflag:s30], $0x1C00  }
0x5a: {  	[sflag:s30] =	ssyncset.done $0x0  }
0x5b: {  	[sflag:s30] =	ssyncadd.s32 $0xFFFFE400  }
0x5c: {  	s14 =	simm.s32 $0x0;
	s15 =	simm.s32 $0x0;
	[bflag:$0x0] =	sbarrier.arrive $0xFFFF  }
.LBB2_4:
0x5d: {  	s16 =	sshll.u32 s15, $0x7  }
0x5e: {  	s16 =	sadd.s32 s9, s16  }
0x5f: {  	s17 =	sshrl.u32 s16, $0x3  }
0x60: {  	s18 =	sadd.s32 s6, s17  }
0x61: {  	[tilespmem:s31], [sflag:$0x2] =	stream.linear.gather [hbm4b:s18+s14], $0x80, $0x38;
	[tilespmem:$0x1E580] =	vst v63  }
0x62: {  	_ =	swait.ge [sflag:s30], $0x80  }
0x63: {  	[sflag:s30] =	ssyncset.done $0x0  }
0x64: {  	s17 =	sadd.s32 s7, s17;
	[sflag:s30] =	ssyncadd.s32 $0xFFFFFF80  }
0x65: {  	[tilespmem:s0], [sflag:$0x2] =	stream.linear.gather [hbm4b:s17+s14], $0x80, $0x38;
	[tilespmem:$0x1E580] =	vst v63  }
0x66: {  	_ =	swait.ge [sflag:s30], $0x80  }
0x67: {  	[sflag:s30] =	ssyncset.done $0x0  }
0x68: {  	[sflag:s30] =	ssyncadd.s32 $0xFFFFFF80  }
0x69: {  	[tilespmem:s10], [sflag:$0x1] =	stream.indirect.gather [hbm4b:s4+s3], $0x40, s31, s3, $0xb8;
	[tilespmem:$0x1E580] =	vst v63  }
0x6a: {  	_ =	swait.ge [sflag:s11], $0x2000  }
0x6b: {  	s16 =	sshll.u32 s16, $0x3;
	[sflag:s11] =	ssyncset.done $0x0  }
0x6c: {  	s16 =	sadd.s32 s5, s16;
	[sflag:s11] =	ssyncadd.s32 $0xFFFFE000  }
0x6d: {  	[tilespmem:s12], [sflag:$0x2] =	stream.linear.gather [hbm4b:s16+s14], $0x2000, $0x38;
	[tilespmem:$0x1E580] =	vst v63  }
0x6e: {  	_ =	swait.ge [sflag:s30], $0x2000  }
0x6f: {  	[sflag:s30] =	ssyncset.done $0x0  }
0x70: {  	s16 =	simm.s32 $0x0;
	[sflag:s30] =	ssyncadd.s32 $0xFFFFE000  }
0x71: {  	v4 =	vld [tilespmem:s16+$0x1A980]  }
0x72: {  	v5 =	vld [tilespmem:s16+$0x1A990]  }
0x73: {  	v3 =	vld [tilespmem:s16+$0x1A9A0]  }
0x74: {  	v2 =	vld [tilespmem:s16+$0x1A9B0]  }
0x75: {  	v6 =	vld [tilespmem:s16+$0x18980]  }
0x76: {  	v8 =	vld [tilespmem:s16+$0x18990]  }
0x77: {  	s17 =	simm.s32 $0x100;
	v7 =	vld [tilespmem:s16+$0x189A0]  }
.LBB2_5:
0x78: {  	p1 =	sne.s32 s17, $0x7F00;
	v9 =	vld [tilespmem:s16+$0x189B0]  }
0x79: {  	s18 =	sshra.s32 s17, $0x2  }
0x7a: {  	v6 =	vadd.f32 v4, v6;
	v4 =	vld [tilespmem:s18+$0x1A980]  }
0x7b: {  	v8 =	vadd.f32 v5, v8;
	v5 =	vld [tilespmem:s18+$0x1A990]  }
.Ltmp1:
0x7c: {  	v6 =	vmax.f32 v6, $0.0e+00;
	v7 =	vadd.f32 v3, v7;
	v3 =	vld [tilespmem:s18+$0x1A9A0];
	(pc) =	sbr.rel @p1 .LBB2_5-.Ltmp1, $4  }
0x7d: {  	[tilespmem:s16+$0x18980] =	vst v6;
	v8 =	vmax.f32 v8, $0.0e+00;
	v9 =	vadd.f32 v2, v9;
	v2 =	vld [tilespmem:s18+$0x1A9B0]  }
0x7e: {  	v6 =	vld [tilespmem:s18+$0x18980];
	[tilespmem:s16+$0x18990] =	vst v8;
	v7 =	vmax.f32 v7, $0.0e+00  }
0x7f: {  	v8 =	vld [tilespmem:s18+$0x18990];
	[tilespmem:s16+$0x189A0] =	vst v7;
	v9 =	vmax.f32 v9, $0.0e+00  }
0x80: {  	s17 =	sadd.s32 $0x100, s17;
	v7 =	vld [tilespmem:s18+$0x189A0];
	[tilespmem:s16+$0x189B0] =	vst v9;
	s16 =	smov.u32 s18  }
0x81: {  	v9 =	vld [tilespmem:s16+$0x189B0];
	_ =	sdelay $0x1  }
0x82: {  	v4 =	vadd.f32 v4, v6  }
0x83: {  	v5 =	vadd.f32 v5, v8  }
0x84: {  	v4 =	vmax.f32 v4, $0.0e+00;
	v3 =	vadd.f32 v3, v7  }
0x85: {  	[tilespmem:s16+$0x18980] =	vst v4;
	v58 =	vmax.f32 v5, $0.0e+00;
	v2 =	vadd.f32 v2, v9  }
0x86: {  	[tilespmem:s16+$0x18990] =	vst v58;
	v3 =	vmax.f32 v3, $0.0e+00  }
0x87: {  	[tilespmem:s16+$0x189A0] =	vst v3;
	v2 =	vmax.f32 v2, $0.0e+00  }
0x88: {  	[tilespmem:s16+$0x189B0] =	vst v2  }
0x89: {  	v2 =	vld [tilespmem:$0x18880]  }
0x8a: {  	v3 =	vld [tilespmem:$0x18890]  }
0x8b: {  	v4 =	vld [tilespmem:$0x188A0]  }
0x8c: {  	v59 =	vld [tilespmem:$0x188B0]  }
0x8d: {  	v60 =	vld [tilespmem:$0x188C0]  }
0x8e: {  	v61 =	vld [tilespmem:$0x188D0];
	v2 =	vsub.s32 v2, v0  }
0x8f: {  	v62 =	vld [tilespmem:$0x188E0];
	v3 =	vsub.s32 v3, v0;
	v2 =	vmin.u32 v2, $0x61A8  }
0x90: {  	v63 =	vld [tilespmem:$0x188F0];
	[tilespmem:$0x18900] =	vst v2;
	v2 =	vmin.u32 v3, $0x61A8;
	v3 =	vsub.s32 v4, v0  }
0x91: {  	[tilespmem:$0x18910] =	vst v2;
	v2 =	vmin.u32 v3, $0x61A8;
	v3 =	vsub.s32 v59, v0  }
0x92: {  	[tilespmem:$0x18920] =	vst v2;
	v2 =	vmin.u32 v3, $0x61A8;
	v3 =	vsub.s32 v60, v0  }
0x93: {  	[tilespmem:$0x18930] =	vst v2;
	v2 =	vmin.u32 v3, $0x61A8;
	v3 =	vsub.s32 v61, v0  }
0x94: {  	[tilespmem:$0x18940] =	vst v2;
	v2 =	vmin.u32 v3, $0x61A8;
	v3 =	vsub.s32 v62, v0  }
0x95: {  	s15 =	sadd.s32 $0x1, s15;
	[tilespmem:$0x18950] =	vst v2;
	v2 =	vmin.u32 v3, $0x61A8;
	v3 =	vsub.s32 v63, v0  }
0x96: {  	p1 =	sne.s32 s15, $0x188;
	[tilespmem:$0x18960] =	vst v2;
	v2 =	vmin.u32 v3, $0x61A8  }
.Ltmp2:
0x97: {  	[tilespmem:$0x18970] =	vst v2;
	(pc) =	sbr.rel @p1 .LBB2_4-.Ltmp2, $4  }
0x98: {  	[spmem:s1] =	stream.indirect.scatter.add.f32 [tilespmem:s10], [sflag:$0x2], $0x40, s13, s3, $0xb8;
	[tilespmem:$0x1E580] =	vst v63  }
0x99: {  	_ =	swait.ge [sflag:s30], $0x2000  }
0x9a: {  	[sflag:s30] =	ssyncset.done $0x0  }
0x9b: {  	[sflag:s30] =	ssyncadd.s32 $0xFFFFE000  }
0x9c: {  	s14 =	stileid.u32  }
0x9d: {  	s14 =	sshll.u32 s14, $0x6  }
0x9e: {  	[bflag:$0x0] =	sbarrier.arrive $0xFFFF;
	s14 =	sor.u32 $0x1C02, s14  }
0x9f: {  	[hbm:s19], [sflag:s14] =	dma.local [spmem:s23], $0x1F40  }
0xa0: {  	_ =	swait.ge [sflag:s30], $0x1F40  }
0xa1: {  	[sflag:s30] =	ssyncset.done $0x0  }
0xa2: {  	[sflag:s30] =	ssyncadd.s32 $0xFFFFE0C0  }
0xa3: {  	[hbm:s20], [sflag:s14] =	dma.local @!p0 [spmem:s24], $0x1F40  }
0xa4: {  	s14 =	simm.s32 @!p0 $0x2  }
0xa5: {  	_ =	swait.ge @!p0 [sflag:s14], $0x1F40  }
0xa6: {  	s2 =	sadd.s32 $0x1, s2;
	s15 =	rddreg [dreg:$0x3]  }
0xa7: {  	p1 =	sne.s32 s2, s15  }
.Ltmp3:
0xa8: {  	_ = 	snop;
	(pc) =	sbr.rel @p1 .LBB2_1-.Ltmp3, $3  }
0xa9: {  	_ =	sdelay $0x1  }
0xaa: {  	[sflag:s14] =	ssyncset.done @!p0 $0x0  }
0xab: {  	[sflag:s14] =	ssyncadd.s32 @!p0 $0xFFFFE0C0  }
0xac: {  	_ =	sfence.sel $0x180000  }
0xad: {  	[bflag:$0x0] =	sbarrier.arrive $0xFFFF  }
0xae: {  	_ =	strace $0x90000047  }
0xaf: {  	s0 =	stileid.u32;
	[bflag:$0x2] =	sbarrier.arrive $0xFFFF  }
0xb0: {  	p0 =	sne.s32 s0, $0x0;
	s0 =	rddreg [dreg:$0x2]  }
0xb1: {  	s0 =	sadd.s32 @!p0 $0x100000, s0  }
0xb2: {  	[sflag:s0] =	ssyncadd.tile.s32 @!p0 $0x1;
	_ =	shalt  }
.Lfunc_end2:
_tile_overlayer_lowered:
.L_overlay_start_2:
0xb3: {  	(tag) =	ssettag $0x2  }
0xb4: {  	s0 =	rddreg [dreg:$0x0];
	s2 =	stileid.u32  }
0xb5: {  	s1 =	rddreg [dreg:$0x1];
	p0 =	sne.s32 s2, $0x0  }
0xb6: {  	s3 =	rddreg [dreg:$0x2];
	[bflag:$0x3] =	sbarrier.arrive $0xFFFF;
	s2 =	simm.s32 @!p0 $0x1C02  }
0xb7: {  	[timem:s3], [sflag:s2] =	dma.local @!p0 [hbm:s0], s1  }
0xb8: {  	s0 =	simm.s32 @!p0 $0x2  }
0xb9: {  	_ =	swait.ge @!p0 [sflag:s0], s1  }
0xba: {  	s1 =	ssub.s32 @!p0 $0x0, s1;
	[sflag:s0] =	ssyncset.done @!p0 $0x0  }
0xbb: {  	[sflag:s0] =	ssyncadd.s32 @!p0 s1  }
0xbc: {  	[bflag:$0x3] =	sbarrier.arrive $0xFFFF  }
0xbd: {  	_ =	shalt  }

// kernel: kernel.20.cloned.1.call-start
scs
__scs_entry_jumppad:
0x0: {  	(pc) =	sbr.rel $0x88, $3  }
0x1: {  	(tag) =	ssettag $0x0;
	lr =	simm.s32 $0x1  }
0x2: {  	[smem:$0x3F7F] =	sst lr;
	_ =	strace $0xD0000000  }
0x3: {  	_ = 	snop  }
0x4: {  	_ = 	snop  }
0x5: {  	_ = 	snop  }
0x6: {  	_ = 	snop  }
0x7: {  	_ = 	snop  }
__scs_overlays_trampoline_lowered:
0x8: {  	[smem:$0x3F8E] =	sst s0  }
0x9: {  	[smem:$0x3F8F] =	sst s1  }
0xa: {  	[smem:$0x3F90] =	sst s2  }
0xb: {  	[smem:$0x3F91] =	sst s3  }
0xc: {  	[smem:$0x3F92] =	sst s4  }
0xd: {  	[smem:$0x3F93] =	sst s5  }
0xe: {  	[smem:$0x3F94] =	sst s6  }
0xf: {  	[smem:$0x3F95] =	sst s7  }
0x10: {  	[smem:$0x3F96] =	sst s8  }
0x11: {  	[smem:$0x3F97] =	sst s9;
	s0 =	simm.s32 @!p0 $0x0  }
0x12: {  	s1 =	sld [smem:$0x3F7D];
	s0 =	simm.s32 @p0 $0x1  }
0x13: {  	[smem:$0x3F98] =	sst s0;
	s0 =	simm.s32 @!p1 $0x0  }
0x14: {  	s2 =	sld [smem:$0x3F7C];
	s0 =	simm.s32 @p1 $0x1  }
0x15: {  	[smem:$0x3F99] =	sst s0;
	s0 =	simm.s32 @!p2 $0x0  }
0x16: {  	s3 =	sld [smem:$0x3FDB];
	s0 =	simm.s32 @p2 $0x1  }
0x17: {  	s4 =	simm.s32 $0x1BF5;
	[smem:$0x3F9B] =	sst s0  }
0x18: {  	s0 =	sld [smem:$0x3F7E];
	_ =	swait.ge [sflag:s4], $0x0  }
0x19: {  	s7 =	sld [smem:$0x3F7F]  }
0x1a: {  	s8 =	sadd.s32 $0xFFFFE003, lr  }
0x1b: {  	s9 =	sadd.s32 $0xFFFFFEF7, lr;
	s5 =	simm.s32 $0xFFFFFFFF;
	p2 =	slt.u32 s8, $0xFFFFF086  }
0x1c: {  	p1 =	slt.u32 s9, $0xF7A;
	s5 =	simm.s32 @!p2 $0x0  }
0x1d: {  	s5 =	simm.s32 @p1 $0x1;
	p0 =	seq.s32 s7, s2  }
0x1e: {  	s7 =	smul.u32 @!p0 $0xF7A, s2;
	p2 =	seq.s32 @!p0 s5, $0x0  }
0x1f: {  	s9 =	smul.u32 $0xF7A, s1;
	s8 =	simm.s32 @!p0 $0x1BF5;
	p2 =	por !p2, p0  }
0x20: {  	[sflag:s8] =	ssyncset.s32 @!p0 $0xFFFFF086;
	s6 =	sadd.s32 @!p0 s3, s7;
	s7 =	simm.s32 @!p0 $0x108  }
0x21: {  	s3 =	sadd.s32 s3, s9;
	s6 =	sadd.s32 @!p0 $0x88, s6;
	s7 =	simm.s32 @p2 $0x1082  }
0x22: {  	[simem:s7], [sflag:s8] =	dma.local @!p0 [hbm:s6], $0xF7A  }
0x23: {  	s9 =	sor.u32 $0xD0000000, s2;
	s6 =	simm.s32 $0x108;
	_ =	swait.ge @!p0 [sflag:s8], $0x0  }
0x24: {  	s3 =	sadd.s32 $0x88, s3;
	s6 =	simm.s32 @!p1 $0x1082;
	[sflag:s4] =	ssyncset.s32 $0xFFFFF086  }
0x25: {  	[simem:s6], [sflag:s4] =	dma.local [hbm:s3], $0xF7A  }
0x26: {  	[smem:$0x3F7F] =	sst s1;
	(tag) =	ssettag s2;
	_ =	strace s9  }
0x27: {  	s1 =	sld [smem:$0x3F8F]  }
0x28: {  	s2 =	sld [smem:$0x3F90]  }
0x29: {  	s4 =	sld [smem:$0x3F92]  }
0x2a: {  	p0 =	seq.s32 s5, $0x0;
	s5 =	sld [smem:$0x3F93]  }
0x2b: {  	s6 =	sld [smem:$0x3F94]  }
0x2c: {  	s7 =	sld [smem:$0x3F95]  }
0x2d: {  	s3 =	simm.s32 $0x108;
	s8 =	sld [smem:$0x3F96]  }
0x2e: {  	s3 =	simm.s32 @!p0 $0x1082;
	s9 =	sld [smem:$0x3F97]  }
0x2f: {  	lr =	sadd.s32 s0, s3;
	s0 =	sld [smem:$0x3F8E]  }
0x30: {  	s3 =	sld [smem:$0x3F91]  }
0x31: {  	[smem:$0x3F9A] =	sst s10  }
0x32: {  	s10 =	sld [smem:$0x3F98];
	_ =	sdelay $0x3  }
0x33: {  	p0 =	seq.s32 s10, $0x1;
	s10 =	sld [smem:$0x3F9A];
	_ =	sdelay $0x3  }
0x34: {  	[smem:$0x3F9A] =	sst s10  }
0x35: {  	s10 =	sld [smem:$0x3F99];
	_ =	sdelay $0x3  }
0x36: {  	p1 =	seq.s32 s10, $0x1;
	s10 =	sld [smem:$0x3F9A];
	_ =	sdelay $0x3  }
0x37: {  	[smem:$0x3F9A] =	sst s10  }
0x38: {  	s10 =	sld [smem:$0x3F9B]  }
0x39: {  	_ = 	snop;
	(pc) =	sbr.ind lr, $3  }
0x3a: {  	_ = 	snop  }
0x3b: {  	_ = 	snop  }
0x3c: {  	p2 =	seq.s32 s10, $0x1;
	s10 =	sld [smem:$0x3F9A]  }
0x3d: {  	_ =	shalt  }
0x3e: {  	_ =	shalt  }
0x3f: {  	_ =	shalt  }
0x40: {  	_ =	shalt  }
0x41: {  	_ =	shalt  }
0x42: {  	_ =	shalt  }
0x43: {  	_ =	shalt  }
0x44: {  	_ =	shalt  }
0x45: {  	_ =	shalt  }
0x46: {  	_ =	shalt  }
0x47: {  	_ =	shalt  }
0x48: {  	_ =	shalt  }
0x49: {  	_ =	shalt  }
0x4a: {  	_ =	shalt  }
0x4b: {  	_ =	shalt  }
0x4c: {  	_ =	shalt  }
0x4d: {  	_ =	shalt  }
0x4e: {  	_ =	shalt  }
0x4f: {  	_ =	shalt  }
0x50: {  	_ =	shalt  }
0x51: {  	_ =	shalt  }
0x52: {  	_ =	shalt  }
0x53: {  	_ =	shalt  }
0x54: {  	_ =	shalt  }
0x55: {  	_ =	shalt  }
0x56: {  	_ =	shalt  }
0x57: {  	_ =	shalt  }
0x58: {  	_ =	shalt  }
0x59: {  	_ =	shalt  }
0x5a: {  	_ =	shalt  }
0x5b: {  	_ =	shalt  }
0x5c: {  	_ =	shalt  }
0x5d: {  	_ =	shalt  }
0x5e: {  	_ =	shalt  }
0x5f: {  	_ =	shalt  }
0x60: {  	_ =	shalt  }
0x61: {  	_ =	shalt  }
0x62: {  	_ =	shalt  }
0x63: {  	_ =	shalt  }
0x64: {  	_ =	shalt  }
0x65: {  	_ =	shalt  }
0x66: {  	_ =	shalt  }
0x67: {  	_ =	shalt  }
0x68: {  	_ =	shalt  }
0x69: {  	_ =	shalt  }
0x6a: {  	_ =	shalt  }
0x6b: {  	_ =	shalt  }
0x6c: {  	_ =	shalt  }
0x6d: {  	_ =	shalt  }
0x6e: {  	_ =	shalt  }
0x6f: {  	_ =	shalt  }
0x70: {  	_ =	shalt  }
0x71: {  	_ =	shalt  }
0x72: {  	_ =	shalt  }
0x73: {  	_ =	shalt  }
0x74: {  	_ =	shalt  }
0x75: {  	_ =	shalt  }
0x76: {  	_ =	shalt  }
0x77: {  	_ =	shalt  }
0x78: {  	_ =	shalt  }
0x79: {  	_ =	shalt  }
0x7a: {  	_ =	shalt  }
0x7b: {  	_ =	shalt  }
0x7c: {  	_ =	shalt  }
0x7d: {  	_ =	shalt  }
0x7e: {  	_ =	shalt  }
0x7f: {  	_ =	shalt  }
0x80: {  	_ =	shalt  }
0x81: {  	_ =	shalt  }
0x82: {  	_ =	shalt  }
0x83: {  	_ =	shalt  }
0x84: {  	_ =	shalt  }
0x85: {  	_ =	shalt  }
0x86: {  	_ =	shalt  }
0x87: {  	_ =	shalt  }
.Lfunc_end0:
.L_simem_size_0:
called_computation.1_lowered:
.L_overlay_start_0:
0x88: {  	s2 =	sld [smem:$0x3FD9]  }
0x89: {  	s3 =	sld [smem:$0x3FFE];
	_ =	sdelay $0x1  }
0x8a: {  	s1 =	srdreg.scid  }
0x8b: {  	s0 =	sand.u32 $0x1, s1  }
0x8c: {  	s16 =	sshll.u32 s0, $0xA;
	s2 =	sadd.s32 s3, s2  }
0x8d: {  	s2 =	sadd.s32 s2, s16  }
0x8e: {  	[smem:$0x3FA6] =	sst s2  }
0x8f: {  	_ = 	snop  }
0x90: {  	(tm) =	ssettm $0x1  }
0x91: {  	s17 =	sld [smem:$0x3FFB];
	_ =	sdelay $0x3  }
0x92: {  	_ =	strace s17  }
0x93: {  	s2 =	sld [smem:$0x3FFC];
	_ =	sdelay $0x3  }
0x94: {  	_ =	strace s2  }
0x95: {  	s2 =	sld [smem:$0x3FFD];
	_ =	sdelay $0x3  }
0x96: {  	_ =	strace s2  }
0x97: {  	_ =	strace $0x8FFFFFFF  }
0x98: {  	s18 =	sld [smem:$0x3FDB];
	_ =	sdelay $0x1  }
0x99: {  	s19 =	simm.s32 $_scs_section_size  }
0x9a: {  	s4 =	simm.s32 $_size__tile_overlayer_lowered;
	s5 =	simm.s32 $_tile_overlayer_lowered  }
0x9b: {  	s22 =	simm.s32 $0x1BFF;
	s21 =	sshll.u32 s5, $0x1;
	s2 =	sadd.s32 s19, s18  }
0x9c: {  	s6 =	simm.s32 $0x0;
	s20 =	sshll.u32 s4, $0x1;
	s4 =	sadd.s32 s21, s2  }
0x9d: {  	[timem:s6], [sflag:s22] =	dma.local [hbm:s4], s20  }
0x9e: {  	_ =	swait.ge [sflag:s22], s20  }
0x9f: {  	s3 =	ssub.s32 $0x0, s20;
	[sflag:s22] =	ssyncset.done $0x0  }
0xa0: {  	[sflag:s22] =	ssyncadd.s32 s3;
	_ =	sdelay $0x1  }
0xa1: {  	s23 =	simm.s32 $0x1B8B  }
0xa2: {  	_ =	swait.ge [sflag:s23], $0x1  }
0xa3: {  	[sflag:s23] =	ssyncset.done $0x0  }
0xa4: {  	s25 =	simm.s32 $0x1B8E;
	s24 =	sld [smem:$0x3FFE];
	[sflag:s23] =	ssyncadd.s32 $0xFFFFFFFF  }
0xa5: {  	s26 =	simm.s32 $execute0_lowered;
	[smem:$0x3FD2] =	sst s25  }
0xa6: {  	s4 =	sshll.u32 s26, $0x1;
	_ =	strace $0x80000049;
	[dreg:$0x1] =	wrdreg $0xFFFFFFFF  }
0xa7: {  	s28 =	simm.s32 $_size_execute0_lowered;
	s2 =	sadd.s32 s2, s4;
	[dreg:$0x0] =	wrdreg $0x0  }
0xa8: {  	s4 =	sshll.u32 s28, $0x1;
	[dreg:$0x2] =	wrdreg s2  }
0xa9: {  	[dreg:$0x3] =	wrdreg s4  }
0xaa: {  	[dreg:$0x4] =	wrdreg $0xC0  }
0xab: {  	_ =	task [dreg:s6], $0x5FFFF  }
0xac: {  	[dreg:$0x1] =	wrdreg $0xFFFFFFFF  }
0xad: {  	[dreg:$0x0] =	wrdreg $0x60  }
0xae: {  	[dreg:$0x2] =	wrdreg s24  }
0xaf: {  	[dreg:$0x3] =	wrdreg $0x0  }
0xb0: {  	[dreg:$0x4] =	wrdreg $0x9  }
0xb1: {  	_ =	task.clear_ibuf [dreg:s6], $0x5FFFF;
	_ =	strace $0x90000049  }
0xb2: {  	s29 =	simm.s32 $0x9;
	_ =	strace $0x8000004B  }
0xb3: {  	_ =	swait.ge [sflag:s29], $0x1  }
0xb4: {  	[sflag:s29] =	ssyncadd.s32 $0xFFFFFFFF  }
0xb5: {  	_ =	strace $0x9000004B  }
0xb6: {  	_ =	sfence  }
0xb7: {  	s30 =	sld [smem:$0x0];
	_ =	sdelay $0x2  }
0xb8: {  	s31 =	sshll.u32 s1, $0xD;
	s1 =	sshrl.u32 s1, $0x2  }
0xb9: {  	s3 =	sand.u32 $0x4000, s31;
	s1 =	sadd.s32 s1, s30  }
0xba: {  	s0 =	sor.u32 s3, s0;
	s1 =	sshll.u32 s1, $0x11  }
0xbb: {  	s0 =	sor.u32 s1, s0  }
0xbc: {  	s0 =	sadd.s32 $0x8F2B, s0  }
0xbd: {  	[sflag:s0] =	ssyncadd.remote.s32 $0x1  }
0xbe: {  	_ =	sfence.sel $0xFFFF  }
0xbf: {  	[dreg:$0x0] =	wrdreg $0xFFFFFFFF;
	(pc) =	sbr.abs _section_cstart, $3  }
0xc0: {  	[dreg:$0x1] =	wrdreg $0xFFFFFFFF  }
0xc1: {  	_ =	task.clear_ibuf [dreg:s6], $0x2FFFF;
	_ =	strace $0x9FFFFFFF  }
0xc2: {  	(tm) =	ssettm $0x7FFFFFFF  }
0xc3: {  	_ =	shalt  }
tec
execute0_lowered:
.L_overlay_start_1:
0x0: {  	(tag) =	ssettag $0x1  }
0x1: {  	s0 =	rddreg [dreg:$0x0]  }
0x2: {  	s1 =	rddreg [dreg:$0x1]  }
0x3: {  	s2 =	simm.s32 $0x0;
	s3 =	srdreg.scid;
	s13 =	stileid.u32  }
0x4: {  	s29 =	simm.s32 $0x1C980;
	s30 =	simm.s32 $0x2;
	s31 =	simm.s32 $0x18800  }
0x5: {  	[smem:$0x7FF] =	sst s2;
	s4 =	sadd.s32 $0x656600, s0;
	s5 =	sadd.s32 $0x36600, s0  }
0x6: {  	s3 =	sand.u32 $0x1, s3;
	s8 =	smul.u32 $0x62000, s13;
	s7 =	sadd.s32 $0x6B8200, s0  }
0x7: {  	s6 =	sadd.s32 $0x5600, s0;
	s0 =	sadd.s32 $0x6D0A00, s0;
	s17 =	smul.u32 $0x3E8, s13  }
0x8: {  	s18 =	sor.u32 $0x10, s13;
	s9 =	ssub.s32 $0x2, s3;
	s11 =	smul.u32 $0x61A8, s3  }
0x9: {  	_ =	strace $0x8000004A;
	s21 =	smul.u32 $0x3E8, s18;
	s10 =	sshrl.u32 s9, $0x1  }
0xa: {  	s24 =	smul.u32 $0x3E800, s18;
	s8 =	sshrl.u32 s8, $0x2;
	s10 =	ssub.s32 s9, s10  }
0xb: {  	p0 =	sgt.u32 s18, $0x18;
	s8 =	sadd.s32 s8, s1;
	s14 =	smax.u32 s10, $0x1  }
0xc: {  	s9 =	smul.u32 $0xC400, s13;
	s15 =	sadd.s32 $0x1C00, s8;
	[dreg:$0x3] =	wrdreg s14  }
0xd: {  	s3 =	sadd.s32 s11, s17;
	s16 =	sadd.s32 $0x3800, s8;
	[dreg:$0x4] =	wrdreg s15  }
0xe: {  	s13 =	smul.u32 $0x3E800, s13;
	s12 =	sadd.s32 $0x5400, s8;
	[dreg:$0x5] =	wrdreg s16  }
0xf: {  	s26 =	sshrl.u32 s24, $0x2;
	s20 =	sadd.s32 $0x7000, s8;
	[dreg:$0x6] =	wrdreg s12  }
0x10: {  	s22 =	sadd.s32 $0xA800, s8;
	s23 =	sadd.s32 $0xC400, s8;
	[dreg:$0x7] =	wrdreg s20  }
0x11: {  	s3 =	sshll.u32 s3, $0x3;
	s28 =	sadd.s32 $0x16C00, s8;
	[dreg:$0x9] =	wrdreg s22  }
0x12: {  	s10 =	simm.s32 $0x18980;
	s14 =	sadd.s32 $0x8C00, s8;
	[dreg:$0xa] =	wrdreg s23  }
0x13: {  	s12 =	sadd.s32 s11, s21;
	s15 =	sadd.s32 $0xE000, s8;
	s19 =	sadd.s32 s0, s3  }
0x14: {  	s21 =	sadd.s32 $0xFC00, s8;
	s25 =	sshrl.u32 s13, $0x2;
	s3 =	sadd.s32 s26, s1  }
0x15: {  	v0 =	vmov s11;
	s22 =	sadd.s32 $0x11800, s8;
	s26 =	sadd.s32 $0x15000, s8;
	s11 =	simm.s32 $0x1  }
0x16: {  	s13 =	simm.s32 $0x18900;
	[dreg:$0x8] =	wrdreg s14;
	s12 =	sshll.u32 s12, $0x3  }
0x17: {  	[dreg:$0xb] =	wrdreg s15;
	s24 =	sshrl.u32 @!p0 s3, $0x3;
	s3 =	simm.s32 $0x80  }
0x18: {  	s20 =	sadd.s32 s0, s12;
	s0 =	sadd.s32 s25, s1;
	s25 =	sadd.s32 $0x13400, s8  }
0x19: {  	v1 =	vimm.f32 $0.0e+00;
	s12 =	simm.s32 $0x1A980;
	s23 =	sshrl.u32 s0, $0x3;
	s0 =	simm.s32 $0x18880  }
.LBB2_1:
0x1a: {  	s15 =	simm.s32 $0x100;
	s14 =	simm.s32 $0x0  }
.LBB2_2:
0x1b: {  	p1 =	sne.s32 s15, $0x6F00;
	[tilespmem:s14+$0x1C9B0] =	vst v1;
	s16 =	smov.u32 s15;
	s15 =	sadd.s32 $0x100, s15  }
.Ltmp0:
0x1c: {  	[tilespmem:s14+$0x1C9A0] =	vst v1;
	(pc) =	sbr.rel @p1 .LBB2_2-.Ltmp0, $3  }
0x1d: {  	[tilespmem:s14+$0x1C980] =	vst v1  }
0x1e: {  	[tilespmem:s14+$0x1C990] =	vst v1;
	_ =	sdelay $0x1  }
0x1f: {  	s14 =	sshra.s32 s16, $0x2  }
0x20: {  	[tilespmem:s14+$0x1C9B0] =	vst v1  }
0x21: {  	[tilespmem:s14+$0x1C9A0] =	vst v1  }
0x22: {  	[tilespmem:s14+$0x1C980] =	vst v1  }
0x23: {  	[tilespmem:s14+$0x1C990] =	vst v1  }
0x24: {  	[spmem:s8] =	stream.linear.scatter [tilespmem:s29], [sflag:$0x2], $0x1C00, $0x38;
	[tilespmem:$0x1E580] =	vst v63  }
0x25: {  	_ =	swait.ge [sflag:s30], $0x1C00  }
0x26: {  	[sflag:s30] =	ssyncset.done $0x0  }
0x27: {  	s15 =	rddreg [dreg:$0x4];
	[sflag:s30] =	ssyncadd.s32 $0xFFFFE400  }
0x28: {  	[spmem:s15] =	stream.linear.scatter [tilespmem:s29], [sflag:$0x2], $0x1C00, $0x38;
	[tilespmem:$0x1E580] =	vst v63  }
0x29: {  	_ =	swait.ge [sflag:s30], $0x1C00  }
0x2a: {  	[sflag:s30] =	ssyncset.done $0x0  }
0x2b: {  	s16 =	rddreg [dreg:$0x5];
	[sflag:s30] =	ssyncadd.s32 $0xFFFFE400  }
0x2c: {  	[spmem:s16] =	stream.linear.scatter [tilespmem:s29], [sflag:$0x2], $0x1C00, $0x38;
	[tilespmem:$0x1E580] =	vst v63  }
0x2d: {  	_ =	swait.ge [sflag:s30], $0x1C00  }
0x2e: {  	[sflag:s30] =	ssyncset.done $0x0  }
0x2f: {  	s17 =	rddreg [dreg:$0x6];
	[sflag:s30] =	ssyncadd.s32 $0xFFFFE400  }
0x30: {  	[spmem:s17] =	stream.linear.scatter [tilespmem:s29], [sflag:$0x2], $0x1C00, $0x38;
	[tilespmem:$0x1E580] =	vst v63  }
0x31: {  	_ =	swait.ge [sflag:s30], $0x1C00  }
0x32: {  	[sflag:s30] =	ssyncset.done $0x0  }
0x33: {  	s18 =	rddreg [dreg:$0x7];
	[sflag:s30] =	ssyncadd.s32 $0xFFFFE400  }
0x34: {  	[spmem:s18] =	stream.linear.scatter [tilespmem:s29], [sflag:$0x2], $0x1C00, $0x38;
	[tilespmem:$0x1E580] =	vst v63  }
0x35: {  	_ =	swait.ge [sflag:s30], $0x1C00  }
0x36: {  	[sflag:s30] =	ssyncset.done $0x0  }
0x37: {  	s15 =	rddreg [dreg:$0x8];
	[sflag:s30] =	ssyncadd.s32 $0xFFFFE400  }
0x38: {  	[spmem:s15] =	stream.linear.scatter [tilespmem:s29], [sflag:$0x2], $0x1C00, $0x38;
	[tilespmem:$0x1E580] =	vst v63  }
0x39: {  	_ =	swait.ge [sflag:s30], $0x1C00  }
0x3a: {  	[sflag:s30] =	ssyncset.done $0x0  }
0x3b: {  	s16 =	rddreg [dreg:$0x9];
	[sflag:s30] =	ssyncadd.s32 $0xFFFFE400  }
0x3c: {  	[spmem:s16] =	stream.linear.scatter [tilespmem:s29], [sflag:$0x2], $0x1C00, $0x38;
	[tilespmem:$0x1E580] =	vst v63  }
0x3d: {  	_ =	swait.ge [sflag:s30], $0x1C00  }
0x3e: {  	[sflag:s30] =	ssyncset.done $0x0  }
0x3f: {  	s17 =	rddreg [dreg:$0xa];
	[sflag:s30] =	ssyncadd.s32 $0xFFFFE400  }
0x40: {  	[spmem:s17] =	stream.linear.scatter [tilespmem:s29], [sflag:$0x2], $0x1C00, $0x38;
	[tilespmem:$0x1E580] =	vst v63  }
0x41: {  	_ =	swait.ge [sflag:s30], $0x1C00  }
0x42: {  	[sflag:s30] =	ssyncset.done $0x0  }
0x43: {  	s18 =	rddreg [dreg:$0xb];
	[sflag:s30] =	ssyncadd.s32 $0xFFFFE400  }
0x44: {  	[spmem:s18] =	stream.linear.scatter [tilespmem:s29], [sflag:$0x2], $0x1C00, $0x38;
	[tilespmem:$0x1E580] =	vst v63  }
0x45: {  	_ =	swait.ge [sflag:s30], $0x1C00  }
0x46: {  	[sflag:s30] =	ssyncset.done $0x0  }
0x47: {  	[sflag:s30] =	ssyncadd.s32 $0xFFFFE400  }
0x48: {  	[spmem:s21] =	stream.linear.scatter [tilespmem:s29], [sflag:$0x2], $0x1C00, $0x38;
	[tilespmem:$0x1E580] =	vst v63  }
0x49: {  	_ =	swait.ge [sflag:s30], $0x1C00  }
0x4a: {  	[sflag:s30] =	ssyncset.done $0x0  }
0x4b: {  	[sflag:s30] =	ssyncadd.s32 $0xFFFFE400  }
0x4c: {  	[spmem:s22] =	stream.linear.scatter [tilespmem:s29], [sflag:$0x2], $0x1C00, $0x38;
	[tilespmem:$0x1E580] =	vst v63  }
0x4d: {  	_ =	swait.ge [sflag:s30], $0x1C00  }
0x4e: {  	[sflag:s30] =	ssyncset.done $0x0  }
0x4f: {  	[sflag:s30] =	ssyncadd.s32 $0xFFFFE400  }
0x50: {  	[spmem:s25] =	stream.linear.scatter [tilespmem:s29], [sflag:$0x2], $0x1C00, $0x38;
	[tilespmem:$0x1E580] =	vst v63  }
0x51: {  	_ =	swait.ge [sflag:s30], $0x1C00  }
0x52: {  	[sflag:s30] =	ssyncset.done $0x0  }
0x53: {  	[sflag:s30] =	ssyncadd.s32 $0xFFFFE400  }
0x54: {  	[spmem:s26] =	stream.linear.scatter [tilespmem:s29], [sflag:$0x2], $0x1C00, $0x38;
	[tilespmem:$0x1E580] =	vst v63  }
0x55: {  	_ =	swait.ge [sflag:s30], $0x1C00  }
0x56: {  	[sflag:s30] =	ssyncset.done $0x0  }
0x57: {  	[sflag:s30] =	ssyncadd.s32 $0xFFFFE400  }
0x58: {  	[spmem:s28] =	stream.linear.scatter [tilespmem:s29], [sflag:$0x2], $0x1C00, $0x38;
	[tilespmem:$0x1E580] =	vst v63  }
0x59: {  	_ =	swait.ge [sflag:s30], $0x1C00  }
0x5a: {  	[sflag:s30] =	ssyncset.done $0x0  }
0x5b: {  	[sflag:s30] =	ssyncadd.s32 $0xFFFFE400  }
0x5c: {  	s14 =	simm.s32 $0x0;
	s15 =	simm.s32 $0x0;
	[bflag:$0x0] =	sbarrier.arrive $0xFFFF  }
.LBB2_4:
0x5d: {  	s16 =	sshll.u32 s15, $0x7  }
0x5e: {  	s16 =	sadd.s32 s9, s16  }
0x5f: {  	s17 =	sshrl.u32 s16, $0x3  }
0x60: {  	s18 =	sadd.s32 s6, s17  }
0x61: {  	[tilespmem:s31], [sflag:$0x2] =	stream.linear.gather [hbm4b:s18+s14], $0x80, $0x38;
	[tilespmem:$0x1E580] =	vst v63  }
0x62: {  	_ =	swait.ge [sflag:s30], $0x80  }
0x63: {  	[sflag:s30] =	ssyncset.done $0x0  }
0x64: {  	s17 =	sadd.s32 s7, s17;
	[sflag:s30] =	ssyncadd.s32 $0xFFFFFF80  }
0x65: {  	[tilespmem:s0], [sflag:$0x2] =	stream.linear.gather [hbm4b:s17+s14], $0x80, $0x38;
	[tilespmem:$0x1E580] =	vst v63  }
0x66: {  	_ =	swait.ge [sflag:s30], $0x80  }
0x67: {  	[sflag:s30] =	ssyncset.done $0x0  }
0x68: {  	[sflag:s30] =	ssyncadd.s32 $0xFFFFFF80  }
0x69: {  	[tilespmem:s10], [sflag:$0x1] =	stream.indirect.gather [hbm4b:s4+s3], $0x40, s31, s3, $0xb8;
	[tilespmem:$0x1E580] =	vst v63  }
0x6a: {  	_ =	swait.ge [sflag:s11], $0x2000  }
0x6b: {  	s16 =	sshll.u32 s16, $0x3;
	[sflag:s11] =	ssyncset.done $0x0  }
0x6c: {  	s16 =	sadd.s32 s5, s16;
	[sflag:s11] =	ssyncadd.s32 $0xFFFFE000  }
0x6d: {  	[tilespmem:s12], [sflag:$0x2] =	stream.linear.gather [hbm4b:s16+s14], $0x2000, $0x38;
	[tilespmem:$0x1E580] =	vst v63  }
0x6e: {  	_ =	swait.ge [sflag:s30], $0x2000  }
0x6f: {  	[sflag:s30] =	ssyncset.done $0x0  }
0x70: {  	s16 =	simm.s32 $0x0;
	[sflag:s30] =	ssyncadd.s32 $0xFFFFE000  }
0x71: {  	v4 =	vld [tilespmem:s16+$0x1A980]  }
0x72: {  	v5 =	vld [tilespmem:s16+$0x1A990]  }
0x73: {  	v3 =	vld [tilespmem:s16+$0x1A9A0]  }
0x74: {  	v2 =	vld [tilespmem:s16+$0x1A9B0]  }
0x75: {  	v6 =	vld [tilespmem:s16+$0x18980]  }
0x76: {  	v8 =	vld [tilespmem:s16+$0x18990]  }
0x77: {  	s17 =	simm.s32 $0x100;
	v7 =	vld [tilespmem:s16+$0x189A0]  }
.LBB2_5:
0x78: {  	p1 =	sne.s32 s17, $0x7F00;
	v9 =	vld [tilespmem:s16+$0x189B0]  }
0x79: {  	s18 =	sshra.s32 s17, $0x2  }
0x7a: {  	v6 =	vadd.f32 v4, v6;
	v4 =	vld [tilespmem:s18+$0x1A980]  }
0x7b: {  	v8 =	vadd.f32 v5, v8;
	v5 =	vld [tilespmem:s18+$0x1A990]  }
.Ltmp1:
0x7c: {  	v6 =	vmax.f32 v6, $0.0e+00;
	v7 =	vadd.f32 v3, v7;
	v3 =	vld [tilespmem:s18+$0x1A9A0];
	(pc) =	sbr.rel @p1 .LBB2_5-.Ltmp1, $4  }
0x7d: {  	[tilespmem:s16+$0x18980] =	vst v6;
	v8 =	vmax.f32 v8, $0.0e+00;
	v9 =	vadd.f32 v2, v9;
	v2 =	vld [tilespmem:s18+$0x1A9B0]  }
0x7e: {  	v6 =	vld [tilespmem:s18+$0x18980];
	[tilespmem:s16+$0x18990] =	vst v8;
	v7 =	vmax.f32 v7, $0.0e+00  }
0x7f: {  	v8 =	vld [tilespmem:s18+$0x18990];
	[tilespmem:s16+$0x189A0] =	vst v7;
	v9 =	vmax.f32 v9, $0.0e+00  }
0x80: {  	s17 =	sadd.s32 $0x100, s17;
	v7 =	vld [tilespmem:s18+$0x189A0];
	[tilespmem:s16+$0x189B0] =	vst v9;
	s16 =	smov.u32 s18  }
0x81: {  	v9 =	vld [tilespmem:s16+$0x189B0];
	_ =	sdelay $0x1  }
0x82: {  	v4 =	vadd.f32 v4, v6  }
0x83: {  	v5 =	vadd.f32 v5, v8  }
0x84: {  	v4 =	vmax.f32 v4, $0.0e+00;
	v3 =	vadd.f32 v3, v7  }
0x85: {  	[tilespmem:s16+$0x18980] =	vst v4;
	v58 =	vmax.f32 v5, $0.0e+00;
	v2 =	vadd.f32 v2, v9  }
0x86: {  	[tilespmem:s16+$0x18990] =	vst v58;
	v3 =	vmax.f32 v3, $0.0e+00  }
0x87: {  	[tilespmem:s16+$0x189A0] =	vst v3;
	v2 =	vmax.f32 v2, $0.0e+00  }
0x88: {  	[tilespmem:s16+$0x189B0] =	vst v2  }
0x89: {  	v2 =	vld [tilespmem:$0x18880]  }
0x8a: {  	v3 =	vld [tilespmem:$0x18890]  }
0x8b: {  	v4 =	vld [tilespmem:$0x188A0]  }
0x8c: {  	v59 =	vld [tilespmem:$0x188B0]  }
0x8d: {  	v60 =	vld [tilespmem:$0x188C0]  }
0x8e: {  	v61 =	vld [tilespmem:$0x188D0];
	v2 =	vsub.s32 v2, v0  }
0x8f: {  	v62 =	vld [tilespmem:$0x188E0];
	v3 =	vsub.s32 v3, v0;
	v2 =	vmin.u32 v2, $0x61A8  }
0x90: {  	v63 =	vld [tilespmem:$0x188F0];
	[tilespmem:$0x18900] =	vst v2;
	v2 =	vmin.u32 v3, $0x61A8;
	v3 =	vsub.s32 v4, v0  }
0x91: {  	[tilespmem:$0x18910] =	vst v2;
	v2 =	vmin.u32 v3, $0x61A8;
	v3 =	vsub.s32 v59, v0  }
0x92: {  	[tilespmem:$0x18920] =	vst v2;
	v2 =	vmin.u32 v3, $0x61A8;
	v3 =	vsub.s32 v60, v0  }
0x93: {  	[tilespmem:$0x18930] =	vst v2;
	v2 =	vmin.u32 v3, $0x61A8;
	v3 =	vsub.s32 v61, v0  }
0x94: {  	[tilespmem:$0x18940] =	vst v2;
	v2 =	vmin.u32 v3, $0x61A8;
	v3 =	vsub.s32 v62, v0  }
0x95: {  	s15 =	sadd.s32 $0x1, s15;
	[tilespmem:$0x18950] =	vst v2;
	v2 =	vmin.u32 v3, $0x61A8;
	v3 =	vsub.s32 v63, v0  }
0x96: {  	p1 =	sne.s32 s15, $0x188;
	[tilespmem:$0x18960] =	vst v2;
	v2 =	vmin.u32 v3, $0x61A8  }
.Ltmp2:
0x97: {  	[tilespmem:$0x18970] =	vst v2;
	(pc) =	sbr.rel @p1 .LBB2_4-.Ltmp2, $4  }
0x98: {  	[spmem:s1] =	stream.indirect.scatter.add.f32 [tilespmem:s10], [sflag:$0x2], $0x40, s13, s3, $0xb8;
	[tilespmem:$0x1E580] =	vst v63  }
0x99: {  	_ =	swait.ge [sflag:s30], $0x2000  }
0x9a: {  	[sflag:s30] =	ssyncset.done $0x0  }
0x9b: {  	[sflag:s30] =	ssyncadd.s32 $0xFFFFE000  }
0x9c: {  	s14 =	stileid.u32  }
0x9d: {  	s14 =	sshll.u32 s14, $0x6  }
0x9e: {  	[bflag:$0x0] =	sbarrier.arrive $0xFFFF;
	s14 =	sor.u32 $0x1C02, s14  }
0x9f: {  	[hbm:s19], [sflag:s14] =	dma.local [spmem:s23], $0x1F40  }
0xa0: {  	_ =	swait.ge [sflag:s30], $0x1F40  }
0xa1: {  	[sflag:s30] =	ssyncset.done $0x0  }
0xa2: {  	[sflag:s30] =	ssyncadd.s32 $0xFFFFE0C0  }
0xa3: {  	[hbm:s20], [sflag:s14] =	dma.local @!p0 [spmem:s24], $0x1F40  }
0xa4: {  	s14 =	simm.s32 @!p0 $0x2  }
0xa5: {  	_ =	swait.ge @!p0 [sflag:s14], $0x1F40  }
0xa6: {  	s2 =	sadd.s32 $0x1, s2;
	s15 =	rddreg [dreg:$0x3]  }
0xa7: {  	p1 =	sne.s32 s2, s15  }
.Ltmp3:
0xa8: {  	_ = 	snop;
	(pc) =	sbr.rel @p1 .LBB2_1-.Ltmp3, $3  }
0xa9: {  	_ =	sdelay $0x1  }
0xaa: {  	[sflag:s14] =	ssyncset.done @!p0 $0x0  }
0xab: {  	[sflag:s14] =	ssyncadd.s32 @!p0 $0xFFFFE0C0  }
0xac: {  	_ =	sfence.sel $0x180000  }
0xad: {  	[bflag:$0x0] =	sbarrier.arrive $0xFFFF  }
0xae: {  	_ =	strace $0x9000004A  }
0xaf: {  	s0 =	stileid.u32;
	[bflag:$0x2] =	sbarrier.arrive $0xFFFF  }
0xb0: {  	p0 =	sne.s32 s0, $0x0;
	s0 =	rddreg [dreg:$0x2]  }
0xb1: {  	s0 =	sadd.s32 @!p0 $0x100000, s0  }
0xb2: {  	[sflag:s0] =	ssyncadd.tile.s32 @!p0 $0x1;
	_ =	shalt  }
.Lfunc_end2:
_tile_overlayer_lowered:
.L_overlay_start_2:
0xb3: {  	(tag) =	ssettag $0x2  }
0xb4: {  	s0 =	rddreg [dreg:$0x0];
	s2 =	stileid.u32  }
0xb5: {  	s1 =	rddreg [dreg:$0x1];
	p0 =	sne.s32 s2, $0x0  }
0xb6: {  	s3 =	rddreg [dreg:$0x2];
	[bflag:$0x3] =	sbarrier.arrive $0xFFFF;
	s2 =	simm.s32 @!p0 $0x1C02  }
0xb7: {  	[timem:s3], [sflag:s2] =	dma.local @!p0 [hbm:s0], s1  }
0xb8: {  	s0 =	simm.s32 @!p0 $0x2  }
0xb9: {  	_ =	swait.ge @!p0 [sflag:s0], s1  }
0xba: {  	s1 =	ssub.s32 @!p0 $0x0, s1;
	[sflag:s0] =	ssyncset.done @!p0 $0x0  }
0xbb: {  	[sflag:s0] =	ssyncadd.s32 @!p0 s1  }
0xbc: {  	[bflag:$0x3] =	sbarrier.arrive $0xFFFF  }
0xbd: {  	_ =	shalt  }

// kernel: kernel.23.cloned.1.call-start
scs
__scs_entry_jumppad:
0x0: {  	(pc) =	sbr.rel $0x88, $3  }
0x1: {  	(tag) =	ssettag $0x0;
	lr =	simm.s32 $0x1  }
0x2: {  	[smem:$0x3F7F] =	sst lr;
	_ =	strace $0xD0000000  }
0x3: {  	_ = 	snop  }
0x4: {  	_ = 	snop  }
0x5: {  	_ = 	snop  }
0x6: {  	_ = 	snop  }
0x7: {  	_ = 	snop  }
__scs_overlays_trampoline_lowered:
0x8: {  	[smem:$0x3F8E] =	sst s0  }
0x9: {  	[smem:$0x3F8F] =	sst s1  }
0xa: {  	[smem:$0x3F90] =	sst s2  }
0xb: {  	[smem:$0x3F91] =	sst s3  }
0xc: {  	[smem:$0x3F92] =	sst s4  }
0xd: {  	[smem:$0x3F93] =	sst s5  }
0xe: {  	[smem:$0x3F94] =	sst s6  }
0xf: {  	[smem:$0x3F95] =	sst s7  }
0x10: {  	[smem:$0x3F96] =	sst s8  }
0x11: {  	[smem:$0x3F97] =	sst s9;
	s0 =	simm.s32 @!p0 $0x0  }
0x12: {  	s1 =	sld [smem:$0x3F7D];
	s0 =	simm.s32 @p0 $0x1  }
0x13: {  	[smem:$0x3F98] =	sst s0;
	s0 =	simm.s32 @!p1 $0x0  }
0x14: {  	s2 =	sld [smem:$0x3F7C];
	s0 =	simm.s32 @p1 $0x1  }
0x15: {  	[smem:$0x3F99] =	sst s0;
	s0 =	simm.s32 @!p2 $0x0  }
0x16: {  	s3 =	sld [smem:$0x3FDB];
	s0 =	simm.s32 @p2 $0x1  }
0x17: {  	s4 =	simm.s32 $0x1BF5;
	[smem:$0x3F9B] =	sst s0  }
0x18: {  	s0 =	sld [smem:$0x3F7E];
	_ =	swait.ge [sflag:s4], $0x0  }
0x19: {  	s7 =	sld [smem:$0x3F7F]  }
0x1a: {  	s8 =	sadd.s32 $0xFFFFE003, lr  }
0x1b: {  	s9 =	sadd.s32 $0xFFFFFEF7, lr;
	s5 =	simm.s32 $0xFFFFFFFF;
	p2 =	slt.u32 s8, $0xFFFFF086  }
0x1c: {  	p1 =	slt.u32 s9, $0xF7A;
	s5 =	simm.s32 @!p2 $0x0  }
0x1d: {  	s5 =	simm.s32 @p1 $0x1;
	p0 =	seq.s32 s7, s2  }
0x1e: {  	s7 =	smul.u32 @!p0 $0xF7A, s2;
	p2 =	seq.s32 @!p0 s5, $0x0  }
0x1f: {  	s9 =	smul.u32 $0xF7A, s1;
	s8 =	simm.s32 @!p0 $0x1BF5;
	p2 =	por !p2, p0  }
0x20: {  	[sflag:s8] =	ssyncset.s32 @!p0 $0xFFFFF086;
	s6 =	sadd.s32 @!p0 s3, s7;
	s7 =	simm.s32 @!p0 $0x108  }
0x21: {  	s3 =	sadd.s32 s3, s9;
	s6 =	sadd.s32 @!p0 $0x88, s6;
	s7 =	simm.s32 @p2 $0x1082  }
0x22: {  	[simem:s7], [sflag:s8] =	dma.local @!p0 [hbm:s6], $0xF7A  }
0x23: {  	s9 =	sor.u32 $0xD0000000, s2;
	s6 =	simm.s32 $0x108;
	_ =	swait.ge @!p0 [sflag:s8], $0x0  }
0x24: {  	s3 =	sadd.s32 $0x88, s3;
	s6 =	simm.s32 @!p1 $0x1082;
	[sflag:s4] =	ssyncset.s32 $0xFFFFF086  }
0x25: {  	[simem:s6], [sflag:s4] =	dma.local [hbm:s3], $0xF7A  }
0x26: {  	[smem:$0x3F7F] =	sst s1;
	(tag) =	ssettag s2;
	_ =	strace s9  }
0x27: {  	s1 =	sld [smem:$0x3F8F]  }
0x28: {  	s2 =	sld [smem:$0x3F90]  }
0x29: {  	s4 =	sld [smem:$0x3F92]  }
0x2a: {  	p0 =	seq.s32 s5, $0x0;
	s5 =	sld [smem:$0x3F93]  }
0x2b: {  	s6 =	sld [smem:$0x3F94]  }
0x2c: {  	s7 =	sld [smem:$0x3F95]  }
0x2d: {  	s3 =	simm.s32 $0x108;
	s8 =	sld [smem:$0x3F96]  }
0x2e: {  	s3 =	simm.s32 @!p0 $0x1082;
	s9 =	sld [smem:$0x3F97]  }
0x2f: {  	lr =	sadd.s32 s0, s3;
	s0 =	sld [smem:$0x3F8E]  }
0x30: {  	s3 =	sld [smem:$0x3F91]  }
0x31: {  	[smem:$0x3F9A] =	sst s10  }
0x32: {  	s10 =	sld [smem:$0x3F98];
	_ =	sdelay $0x3  }
0x33: {  	p0 =	seq.s32 s10, $0x1;
	s10 =	sld [smem:$0x3F9A];
	_ =	sdelay $0x3  }
0x34: {  	[smem:$0x3F9A] =	sst s10  }
0x35: {  	s10 =	sld [smem:$0x3F99];
	_ =	sdelay $0x3  }
0x36: {  	p1 =	seq.s32 s10, $0x1;
	s10 =	sld [smem:$0x3F9A];
	_ =	sdelay $0x3  }
0x37: {  	[smem:$0x3F9A] =	sst s10  }
0x38: {  	s10 =	sld [smem:$0x3F9B]  }
0x39: {  	_ = 	snop;
	(pc) =	sbr.ind lr, $3  }
0x3a: {  	_ = 	snop  }
0x3b: {  	_ = 	snop  }
0x3c: {  	p2 =	seq.s32 s10, $0x1;
	s10 =	sld [smem:$0x3F9A]  }
0x3d: {  	_ =	shalt  }
0x3e: {  	_ =	shalt  }
0x3f: {  	_ =	shalt  }
0x40: {  	_ =	shalt  }
0x41: {  	_ =	shalt  }
0x42: {  	_ =	shalt  }
0x43: {  	_ =	shalt  }
0x44: {  	_ =	shalt  }
0x45: {  	_ =	shalt  }
0x46: {  	_ =	shalt  }
0x47: {  	_ =	shalt  }
0x48: {  	_ =	shalt  }
0x49: {  	_ =	shalt  }
0x4a: {  	_ =	shalt  }
0x4b: {  	_ =	shalt  }
0x4c: {  	_ =	shalt  }
0x4d: {  	_ =	shalt  }
0x4e: {  	_ =	shalt  }
0x4f: {  	_ =	shalt  }
0x50: {  	_ =	shalt  }
0x51: {  	_ =	shalt  }
0x52: {  	_ =	shalt  }
0x53: {  	_ =	shalt  }
0x54: {  	_ =	shalt  }
0x55: {  	_ =	shalt  }
0x56: {  	_ =	shalt  }
0x57: {  	_ =	shalt  }
0x58: {  	_ =	shalt  }
0x59: {  	_ =	shalt  }
0x5a: {  	_ =	shalt  }
0x5b: {  	_ =	shalt  }
0x5c: {  	_ =	shalt  }
0x5d: {  	_ =	shalt  }
0x5e: {  	_ =	shalt  }
0x5f: {  	_ =	shalt  }
0x60: {  	_ =	shalt  }
0x61: {  	_ =	shalt  }
0x62: {  	_ =	shalt  }
0x63: {  	_ =	shalt  }
0x64: {  	_ =	shalt  }
0x65: {  	_ =	shalt  }
0x66: {  	_ =	shalt  }
0x67: {  	_ =	shalt  }
0x68: {  	_ =	shalt  }
0x69: {  	_ =	shalt  }
0x6a: {  	_ =	shalt  }
0x6b: {  	_ =	shalt  }
0x6c: {  	_ =	shalt  }
0x6d: {  	_ =	shalt  }
0x6e: {  	_ =	shalt  }
0x6f: {  	_ =	shalt  }
0x70: {  	_ =	shalt  }
0x71: {  	_ =	shalt  }
0x72: {  	_ =	shalt  }
0x73: {  	_ =	shalt  }
0x74: {  	_ =	shalt  }
0x75: {  	_ =	shalt  }
0x76: {  	_ =	shalt  }
0x77: {  	_ =	shalt  }
0x78: {  	_ =	shalt  }
0x79: {  	_ =	shalt  }
0x7a: {  	_ =	shalt  }
0x7b: {  	_ =	shalt  }
0x7c: {  	_ =	shalt  }
0x7d: {  	_ =	shalt  }
0x7e: {  	_ =	shalt  }
0x7f: {  	_ =	shalt  }
0x80: {  	_ =	shalt  }
0x81: {  	_ =	shalt  }
0x82: {  	_ =	shalt  }
0x83: {  	_ =	shalt  }
0x84: {  	_ =	shalt  }
0x85: {  	_ =	shalt  }
0x86: {  	_ =	shalt  }
0x87: {  	_ =	shalt  }
.Lfunc_end0:
.L_simem_size_0:
called_computation.2_lowered:
.L_overlay_start_0:
0x88: {  	s2 =	sld [smem:$0x3FD9]  }
0x89: {  	s3 =	sld [smem:$0x3FFE];
	_ =	sdelay $0x1  }
0x8a: {  	s1 =	srdreg.scid  }
0x8b: {  	s0 =	sand.u32 $0x1, s1  }
0x8c: {  	s16 =	sshll.u32 s0, $0xA;
	s2 =	sadd.s32 s3, s2  }
0x8d: {  	s2 =	sadd.s32 s2, s16  }
0x8e: {  	[smem:$0x3FA6] =	sst s2  }
0x8f: {  	_ = 	snop  }
0x90: {  	(tm) =	ssettm $0x1  }
0x91: {  	s17 =	sld [smem:$0x3FFB];
	_ =	sdelay $0x3  }
0x92: {  	_ =	strace s17  }
0x93: {  	s2 =	sld [smem:$0x3FFC];
	_ =	sdelay $0x3  }
0x94: {  	_ =	strace s2  }
0x95: {  	s2 =	sld [smem:$0x3FFD];
	_ =	sdelay $0x3  }
0x96: {  	_ =	strace s2  }
0x97: {  	_ =	strace $0x8FFFFFFF  }
0x98: {  	s18 =	sld [smem:$0x3FDB];
	_ =	sdelay $0x1  }
0x99: {  	s19 =	simm.s32 $_scs_section_size  }
0x9a: {  	s4 =	simm.s32 $_size__tile_overlayer_lowered;
	s5 =	simm.s32 $_tile_overlayer_lowered  }
0x9b: {  	s22 =	simm.s32 $0x1BFF;
	s21 =	sshll.u32 s5, $0x1;
	s2 =	sadd.s32 s19, s18  }
0x9c: {  	s6 =	simm.s32 $0x0;
	s20 =	sshll.u32 s4, $0x1;
	s4 =	sadd.s32 s21, s2  }
0x9d: {  	[timem:s6], [sflag:s22] =	dma.local [hbm:s4], s20  }
0x9e: {  	_ =	swait.ge [sflag:s22], s20  }
0x9f: {  	s3 =	ssub.s32 $0x0, s20;
	[sflag:s22] =	ssyncset.done $0x0  }
0xa0: {  	[sflag:s22] =	ssyncadd.s32 s3;
	_ =	sdelay $0x1  }
0xa1: {  	s23 =	simm.s32 $0x1B8B  }
0xa2: {  	_ =	swait.ge [sflag:s23], $0x1  }
0xa3: {  	[sflag:s23] =	ssyncset.done $0x0  }
0xa4: {  	s25 =	simm.s32 $0x1B8E;
	s24 =	sld [smem:$0x3FFE];
	[sflag:s23] =	ssyncadd.s32 $0xFFFFFFFF  }
0xa5: {  	s26 =	simm.s32 $execute0_lowered;
	[smem:$0x3FD2] =	sst s25  }
0xa6: {  	s4 =	sshll.u32 s26, $0x1;
	_ =	strace $0x8000004C;
	[dreg:$0x1] =	wrdreg $0xFFFFFFFF  }
0xa7: {  	s28 =	simm.s32 $_size_execute0_lowered;
	s2 =	sadd.s32 s2, s4;
	[dreg:$0x0] =	wrdreg $0x0  }
0xa8: {  	s4 =	sshll.u32 s28, $0x1;
	[dreg:$0x2] =	wrdreg s2  }
0xa9: {  	[dreg:$0x3] =	wrdreg s4  }
0xaa: {  	[dreg:$0x4] =	wrdreg $0xC0  }
0xab: {  	_ =	task [dreg:s6], $0x5FFFF  }
0xac: {  	[dreg:$0x1] =	wrdreg $0xFFFFFFFF  }
0xad: {  	[dreg:$0x0] =	wrdreg $0x60  }
0xae: {  	[dreg:$0x2] =	wrdreg s24  }
0xaf: {  	[dreg:$0x3] =	wrdreg $0x0  }
0xb0: {  	[dreg:$0x4] =	wrdreg $0x9  }
0xb1: {  	_ =	task.clear_ibuf [dreg:s6], $0x5FFFF;
	_ =	strace $0x9000004C  }
0xb2: {  	s29 =	simm.s32 $0x9;
	_ =	strace $0x8000004E  }
0xb3: {  	_ =	swait.ge [sflag:s29], $0x1  }
0xb4: {  	[sflag:s29] =	ssyncadd.s32 $0xFFFFFFFF  }
0xb5: {  	_ =	strace $0x9000004E  }
0xb6: {  	_ =	sfence  }
0xb7: {  	s30 =	sld [smem:$0x0];
	_ =	sdelay $0x2  }
0xb8: {  	s31 =	sshll.u32 s1, $0xD;
	s1 =	sshrl.u32 s1, $0x2  }
0xb9: {  	s3 =	sand.u32 $0x4000, s31;
	s1 =	sadd.s32 s1, s30  }
0xba: {  	s0 =	sor.u32 s3, s0;
	s1 =	sshll.u32 s1, $0x11  }
0xbb: {  	s0 =	sor.u32 s1, s0  }
0xbc: {  	s0 =	sadd.s32 $0x8F2B, s0  }
0xbd: {  	[sflag:s0] =	ssyncadd.remote.s32 $0x1  }
0xbe: {  	_ =	sfence.sel $0xFFFF  }
0xbf: {  	[dreg:$0x0] =	wrdreg $0xFFFFFFFF;
	(pc) =	sbr.abs _section_cstart, $3  }
0xc0: {  	[dreg:$0x1] =	wrdreg $0xFFFFFFFF  }
0xc1: {  	_ =	task.clear_ibuf [dreg:s6], $0x2FFFF;
	_ =	strace $0x9FFFFFFF  }
0xc2: {  	(tm) =	ssettm $0x7FFFFFFF  }
0xc3: {  	_ =	shalt  }
tec
execute0_lowered:
.L_overlay_start_1:
0x0: {  	(tag) =	ssettag $0x1  }
0x1: {  	s0 =	rddreg [dreg:$0x0]  }
0x2: {  	s1 =	rddreg [dreg:$0x1]  }
0x3: {  	s2 =	simm.s32 $0x0;
	s3 =	srdreg.scid;
	s13 =	stileid.u32  }
0x4: {  	s29 =	simm.s32 $0x1C980;
	s30 =	simm.s32 $0x2;
	s31 =	simm.s32 $0x18800  }
0x5: {  	[smem:$0x7FF] =	sst s2;
	s4 =	sadd.s32 $0x656600, s0;
	s5 =	sadd.s32 $0x36600, s0  }
0x6: {  	s3 =	sand.u32 $0x1, s3;
	s8 =	smul.u32 $0x62000, s13;
	s6 =	sadd.s32 $0x5600, s0  }
0x7: {  	s7 =	sadd.s32 $0x6B8200, s0;
	s0 =	sadd.s32 $0x794000, s0;
	s17 =	smul.u32 $0x3E8, s13  }
0x8: {  	s18 =	sor.u32 $0x10, s13;
	s9 =	ssub.s32 $0x2, s3;
	s11 =	smul.u32 $0x61A8, s3  }
0x9: {  	_ =	strace $0x8000004D;
	s21 =	smul.u32 $0x3E8, s18;
	s10 =	sshrl.u32 s9, $0x1  }
0xa: {  	s24 =	smul.u32 $0x3E800, s18;
	s8 =	sshrl.u32 s8, $0x2;
	s10 =	ssub.s32 s9, s10  }
0xb: {  	p0 =	sgt.u32 s18, $0x18;
	s8 =	sadd.s32 s8, s1;
	s14 =	smax.u32 s10, $0x1  }
0xc: {  	s9 =	smul.u32 $0xC400, s13;
	s15 =	sadd.s32 $0x1C00, s8;
	[dreg:$0x3] =	wrdreg s14  }
0xd: {  	s3 =	sadd.s32 s11, s17;
	s16 =	sadd.s32 $0x3800, s8;
	[dreg:$0x4] =	wrdreg s15  }
0xe: {  	s13 =	smul.u32 $0x3E800, s13;
	s12 =	sadd.s32 $0x5400, s8;
	[dreg:$0x5] =	wrdreg s16  }
0xf: {  	s26 =	sshrl.u32 s24, $0x2;
	s20 =	sadd.s32 $0x7000, s8;
	[dreg:$0x6] =	wrdreg s12  }
0x10: {  	s22 =	sadd.s32 $0xA800, s8;
	s23 =	sadd.s32 $0xC400, s8;
	[dreg:$0x7] =	wrdreg s20  }
0x11: {  	s3 =	sshll.u32 s3, $0x3;
	s28 =	sadd.s32 $0x16C00, s8;
	[dreg:$0x9] =	wrdreg s22  }
0x12: {  	s10 =	simm.s32 $0x18980;
	s14 =	sadd.s32 $0x8C00, s8;
	[dreg:$0xa] =	wrdreg s23  }
0x13: {  	s12 =	sadd.s32 s11, s21;
	s15 =	sadd.s32 $0xE000, s8;
	s19 =	sadd.s32 s0, s3  }
0x14: {  	s21 =	sadd.s32 $0xFC00, s8;
	s25 =	sshrl.u32 s13, $0x2;
	s3 =	sadd.s32 s26, s1  }
0x15: {  	v0 =	vmov s11;
	s22 =	sadd.s32 $0x11800, s8;
	s26 =	sadd.s32 $0x15000, s8;
	s11 =	simm.s32 $0x1  }
0x16: {  	s13 =	simm.s32 $0x18900;
	[dreg:$0x8] =	wrdreg s14;
	s12 =	sshll.u32 s12, $0x3  }
0x17: {  	[dreg:$0xb] =	wrdreg s15;
	s24 =	sshrl.u32 @!p0 s3, $0x3;
	s3 =	simm.s32 $0x80  }
0x18: {  	s20 =	sadd.s32 s0, s12;
	s0 =	sadd.s32 s25, s1;
	s25 =	sadd.s32 $0x13400, s8  }
0x19: {  	v1 =	vimm.f32 $0.0e+00;
	s12 =	simm.s32 $0x1A980;
	s23 =	sshrl.u32 s0, $0x3;
	s0 =	simm.s32 $0x18880  }
.LBB2_1:
0x1a: {  	s15 =	simm.s32 $0x100;
	s14 =	simm.s32 $0x0  }
.LBB2_2:
0x1b: {  	p1 =	sne.s32 s15, $0x6F00;
	[tilespmem:s14+$0x1C9B0] =	vst v1;
	s16 =	smov.u32 s15;
	s15 =	sadd.s32 $0x100, s15  }
.Ltmp0:
0x1c: {  	[tilespmem:s14+$0x1C9A0] =	vst v1;
	(pc) =	sbr.rel @p1 .LBB2_2-.Ltmp0, $3  }
0x1d: {  	[tilespmem:s14+$0x1C980] =	vst v1  }
0x1e: {  	[tilespmem:s14+$0x1C990] =	vst v1;
	_ =	sdelay $0x1  }
0x1f: {  	s14 =	sshra.s32 s16, $0x2  }
0x20: {  	[tilespmem:s14+$0x1C9B0] =	vst v1  }
0x21: {  	[tilespmem:s14+$0x1C9A0] =	vst v1  }
0x22: {  	[tilespmem:s14+$0x1C980] =	vst v1  }
0x23: {  	[tilespmem:s14+$0x1C990] =	vst v1  }
0x24: {  	[spmem:s8] =	stream.linear.scatter [tilespmem:s29], [sflag:$0x2], $0x1C00, $0x38;
	[tilespmem:$0x1E580] =	vst v63  }
0x25: {  	_ =	swait.ge [sflag:s30], $0x1C00  }
0x26: {  	[sflag:s30] =	ssyncset.done $0x0  }
0x27: {  	s15 =	rddreg [dreg:$0x4];
	[sflag:s30] =	ssyncadd.s32 $0xFFFFE400  }
0x28: {  	[spmem:s15] =	stream.linear.scatter [tilespmem:s29], [sflag:$0x2], $0x1C00, $0x38;
	[tilespmem:$0x1E580] =	vst v63  }
0x29: {  	_ =	swait.ge [sflag:s30], $0x1C00  }
0x2a: {  	[sflag:s30] =	ssyncset.done $0x0  }
0x2b: {  	s16 =	rddreg [dreg:$0x5];
	[sflag:s30] =	ssyncadd.s32 $0xFFFFE400  }
0x2c: {  	[spmem:s16] =	stream.linear.scatter [tilespmem:s29], [sflag:$0x2], $0x1C00, $0x38;
	[tilespmem:$0x1E580] =	vst v63  }
0x2d: {  	_ =	swait.ge [sflag:s30], $0x1C00  }
0x2e: {  	[sflag:s30] =	ssyncset.done $0x0  }
0x2f: {  	s17 =	rddreg [dreg:$0x6];
	[sflag:s30] =	ssyncadd.s32 $0xFFFFE400  }
0x30: {  	[spmem:s17] =	stream.linear.scatter [tilespmem:s29], [sflag:$0x2], $0x1C00, $0x38;
	[tilespmem:$0x1E580] =	vst v63  }
0x31: {  	_ =	swait.ge [sflag:s30], $0x1C00  }
0x32: {  	[sflag:s30] =	ssyncset.done $0x0  }
0x33: {  	s18 =	rddreg [dreg:$0x7];
	[sflag:s30] =	ssyncadd.s32 $0xFFFFE400  }
0x34: {  	[spmem:s18] =	stream.linear.scatter [tilespmem:s29], [sflag:$0x2], $0x1C00, $0x38;
	[tilespmem:$0x1E580] =	vst v63  }
0x35: {  	_ =	swait.ge [sflag:s30], $0x1C00  }
0x36: {  	[sflag:s30] =	ssyncset.done $0x0  }
0x37: {  	s15 =	rddreg [dreg:$0x8];
	[sflag:s30] =	ssyncadd.s32 $0xFFFFE400  }
0x38: {  	[spmem:s15] =	stream.linear.scatter [tilespmem:s29], [sflag:$0x2], $0x1C00, $0x38;
	[tilespmem:$0x1E580] =	vst v63  }
0x39: {  	_ =	swait.ge [sflag:s30], $0x1C00  }
0x3a: {  	[sflag:s30] =	ssyncset.done $0x0  }
0x3b: {  	s16 =	rddreg [dreg:$0x9];
	[sflag:s30] =	ssyncadd.s32 $0xFFFFE400  }
0x3c: {  	[spmem:s16] =	stream.linear.scatter [tilespmem:s29], [sflag:$0x2], $0x1C00, $0x38;
	[tilespmem:$0x1E580] =	vst v63  }
0x3d: {  	_ =	swait.ge [sflag:s30], $0x1C00  }
0x3e: {  	[sflag:s30] =	ssyncset.done $0x0  }
0x3f: {  	s17 =	rddreg [dreg:$0xa];
	[sflag:s30] =	ssyncadd.s32 $0xFFFFE400  }
0x40: {  	[spmem:s17] =	stream.linear.scatter [tilespmem:s29], [sflag:$0x2], $0x1C00, $0x38;
	[tilespmem:$0x1E580] =	vst v63  }
0x41: {  	_ =	swait.ge [sflag:s30], $0x1C00  }
0x42: {  	[sflag:s30] =	ssyncset.done $0x0  }
0x43: {  	s18 =	rddreg [dreg:$0xb];
	[sflag:s30] =	ssyncadd.s32 $0xFFFFE400  }
0x44: {  	[spmem:s18] =	stream.linear.scatter [tilespmem:s29], [sflag:$0x2], $0x1C00, $0x38;
	[tilespmem:$0x1E580] =	vst v63  }
0x45: {  	_ =	swait.ge [sflag:s30], $0x1C00  }
0x46: {  	[sflag:s30] =	ssyncset.done $0x0  }
0x47: {  	[sflag:s30] =	ssyncadd.s32 $0xFFFFE400  }
0x48: {  	[spmem:s21] =	stream.linear.scatter [tilespmem:s29], [sflag:$0x2], $0x1C00, $0x38;
	[tilespmem:$0x1E580] =	vst v63  }
0x49: {  	_ =	swait.ge [sflag:s30], $0x1C00  }
0x4a: {  	[sflag:s30] =	ssyncset.done $0x0  }
0x4b: {  	[sflag:s30] =	ssyncadd.s32 $0xFFFFE400  }
0x4c: {  	[spmem:s22] =	stream.linear.scatter [tilespmem:s29], [sflag:$0x2], $0x1C00, $0x38;
	[tilespmem:$0x1E580] =	vst v63  }
0x4d: {  	_ =	swait.ge [sflag:s30], $0x1C00  }
0x4e: {  	[sflag:s30] =	ssyncset.done $0x0  }
0x4f: {  	[sflag:s30] =	ssyncadd.s32 $0xFFFFE400  }
0x50: {  	[spmem:s25] =	stream.linear.scatter [tilespmem:s29], [sflag:$0x2], $0x1C00, $0x38;
	[tilespmem:$0x1E580] =	vst v63  }
0x51: {  	_ =	swait.ge [sflag:s30], $0x1C00  }
0x52: {  	[sflag:s30] =	ssyncset.done $0x0  }
0x53: {  	[sflag:s30] =	ssyncadd.s32 $0xFFFFE400  }
0x54: {  	[spmem:s26] =	stream.linear.scatter [tilespmem:s29], [sflag:$0x2], $0x1C00, $0x38;
	[tilespmem:$0x1E580] =	vst v63  }
0x55: {  	_ =	swait.ge [sflag:s30], $0x1C00  }
0x56: {  	[sflag:s30] =	ssyncset.done $0x0  }
0x57: {  	[sflag:s30] =	ssyncadd.s32 $0xFFFFE400  }
0x58: {  	[spmem:s28] =	stream.linear.scatter [tilespmem:s29], [sflag:$0x2], $0x1C00, $0x38;
	[tilespmem:$0x1E580] =	vst v63  }
0x59: {  	_ =	swait.ge [sflag:s30], $0x1C00  }
0x5a: {  	[sflag:s30] =	ssyncset.done $0x0  }
0x5b: {  	[sflag:s30] =	ssyncadd.s32 $0xFFFFE400  }
0x5c: {  	s14 =	simm.s32 $0x0;
	s15 =	simm.s32 $0x0;
	[bflag:$0x0] =	sbarrier.arrive $0xFFFF  }
.LBB2_4:
0x5d: {  	s16 =	sshll.u32 s15, $0x7  }
0x5e: {  	s16 =	sadd.s32 s9, s16  }
0x5f: {  	s17 =	sshrl.u32 s16, $0x3  }
0x60: {  	s18 =	sadd.s32 s6, s17  }
0x61: {  	[tilespmem:s31], [sflag:$0x2] =	stream.linear.gather [hbm4b:s18+s14], $0x80, $0x38;
	[tilespmem:$0x1E580] =	vst v63  }
0x62: {  	_ =	swait.ge [sflag:s30], $0x80  }
0x63: {  	[sflag:s30] =	ssyncset.done $0x0  }
0x64: {  	s17 =	sadd.s32 s7, s17;
	[sflag:s30] =	ssyncadd.s32 $0xFFFFFF80  }
0x65: {  	[tilespmem:s0], [sflag:$0x2] =	stream.linear.gather [hbm4b:s17+s14], $0x80, $0x38;
	[tilespmem:$0x1E580] =	vst v63  }
0x66: {  	_ =	swait.ge [sflag:s30], $0x80  }
0x67: {  	[sflag:s30] =	ssyncset.done $0x0  }
0x68: {  	[sflag:s30] =	ssyncadd.s32 $0xFFFFFF80  }
0x69: {  	[tilespmem:s10], [sflag:$0x1] =	stream.indirect.gather [hbm4b:s4+s3], $0x40, s31, s3, $0xb8;
	[tilespmem:$0x1E580] =	vst v63  }
0x6a: {  	_ =	swait.ge [sflag:s11], $0x2000  }
0x6b: {  	s16 =	sshll.u32 s16, $0x3;
	[sflag:s11] =	ssyncset.done $0x0  }
0x6c: {  	s16 =	sadd.s32 s5, s16;
	[sflag:s11] =	ssyncadd.s32 $0xFFFFE000  }
0x6d: {  	[tilespmem:s12], [sflag:$0x2] =	stream.linear.gather [hbm4b:s16+s14], $0x2000, $0x38;
	[tilespmem:$0x1E580] =	vst v63  }
0x6e: {  	_ =	swait.ge [sflag:s30], $0x2000  }
0x6f: {  	[sflag:s30] =	ssyncset.done $0x0  }
0x70: {  	s16 =	simm.s32 $0x0;
	[sflag:s30] =	ssyncadd.s32 $0xFFFFE000  }
0x71: {  	v4 =	vld [tilespmem:s16+$0x1A980]  }
0x72: {  	v5 =	vld [tilespmem:s16+$0x1A990]  }
0x73: {  	v3 =	vld [tilespmem:s16+$0x1A9A0]  }
0x74: {  	v2 =	vld [tilespmem:s16+$0x1A9B0]  }
0x75: {  	v6 =	vld [tilespmem:s16+$0x18980]  }
0x76: {  	v8 =	vld [tilespmem:s16+$0x18990]  }
0x77: {  	s17 =	simm.s32 $0x100;
	v7 =	vld [tilespmem:s16+$0x189A0]  }
.LBB2_5:
0x78: {  	p1 =	sne.s32 s17, $0x7F00;
	v9 =	vld [tilespmem:s16+$0x189B0]  }
0x79: {  	s18 =	sshra.s32 s17, $0x2  }
0x7a: {  	v6 =	vadd.f32 v4, v6;
	v4 =	vld [tilespmem:s18+$0x1A980]  }
0x7b: {  	v8 =	vadd.f32 v5, v8;
	v5 =	vld [tilespmem:s18+$0x1A990]  }
.Ltmp1:
0x7c: {  	v6 =	vmax.f32 v6, $0.0e+00;
	v7 =	vadd.f32 v3, v7;
	v3 =	vld [tilespmem:s18+$0x1A9A0];
	(pc) =	sbr.rel @p1 .LBB2_5-.Ltmp1, $4  }
0x7d: {  	[tilespmem:s16+$0x18980] =	vst v6;
	v8 =	vmax.f32 v8, $0.0e+00;
	v9 =	vadd.f32 v2, v9;
	v2 =	vld [tilespmem:s18+$0x1A9B0]  }
0x7e: {  	v6 =	vld [tilespmem:s18+$0x18980];
	[tilespmem:s16+$0x18990] =	vst v8;
	v7 =	vmax.f32 v7, $0.0e+00  }
0x7f: {  	v8 =	vld [tilespmem:s18+$0x18990];
	[tilespmem:s16+$0x189A0] =	vst v7;
	v9 =	vmax.f32 v9, $0.0e+00  }
0x80: {  	s17 =	sadd.s32 $0x100, s17;
	v7 =	vld [tilespmem:s18+$0x189A0];
	[tilespmem:s16+$0x189B0] =	vst v9;
	s16 =	smov.u32 s18  }
0x81: {  	v9 =	vld [tilespmem:s16+$0x189B0];
	_ =	sdelay $0x1  }
0x82: {  	v4 =	vadd.f32 v4, v6  }
0x83: {  	v5 =	vadd.f32 v5, v8  }
0x84: {  	v4 =	vmax.f32 v4, $0.0e+00;
	v3 =	vadd.f32 v3, v7  }
0x85: {  	[tilespmem:s16+$0x18980] =	vst v4;
	v58 =	vmax.f32 v5, $0.0e+00;
	v2 =	vadd.f32 v2, v9  }
0x86: {  	[tilespmem:s16+$0x18990] =	vst v58;
	v3 =	vmax.f32 v3, $0.0e+00  }
0x87: {  	[tilespmem:s16+$0x189A0] =	vst v3;
	v2 =	vmax.f32 v2, $0.0e+00  }
0x88: {  	[tilespmem:s16+$0x189B0] =	vst v2  }
0x89: {  	v2 =	vld [tilespmem:$0x18880]  }
0x8a: {  	v3 =	vld [tilespmem:$0x18890]  }
0x8b: {  	v4 =	vld [tilespmem:$0x188A0]  }
0x8c: {  	v59 =	vld [tilespmem:$0x188B0]  }
0x8d: {  	v60 =	vld [tilespmem:$0x188C0]  }
0x8e: {  	v61 =	vld [tilespmem:$0x188D0];
	v2 =	vsub.s32 v2, v0  }
0x8f: {  	v62 =	vld [tilespmem:$0x188E0];
	v3 =	vsub.s32 v3, v0;
	v2 =	vmin.u32 v2, $0x61A8  }
0x90: {  	v63 =	vld [tilespmem:$0x188F0];
	[tilespmem:$0x18900] =	vst v2;
	v2 =	vmin.u32 v3, $0x61A8;
	v3 =	vsub.s32 v4, v0  }
0x91: {  	[tilespmem:$0x18910] =	vst v2;
	v2 =	vmin.u32 v3, $0x61A8;
	v3 =	vsub.s32 v59, v0  }
0x92: {  	[tilespmem:$0x18920] =	vst v2;
	v2 =	vmin.u32 v3, $0x61A8;
	v3 =	vsub.s32 v60, v0  }
0x93: {  	[tilespmem:$0x18930] =	vst v2;
	v2 =	vmin.u32 v3, $0x61A8;
	v3 =	vsub.s32 v61, v0  }
0x94: {  	[tilespmem:$0x18940] =	vst v2;
	v2 =	vmin.u32 v3, $0x61A8;
	v3 =	vsub.s32 v62, v0  }
0x95: {  	s15 =	sadd.s32 $0x1, s15;
	[tilespmem:$0x18950] =	vst v2;
	v2 =	vmin.u32 v3, $0x61A8;
	v3 =	vsub.s32 v63, v0  }
0x96: {  	p1 =	sne.s32 s15, $0x188;
	[tilespmem:$0x18960] =	vst v2;
	v2 =	vmin.u32 v3, $0x61A8  }
.Ltmp2:
0x97: {  	[tilespmem:$0x18970] =	vst v2;
	(pc) =	sbr.rel @p1 .LBB2_4-.Ltmp2, $4  }
0x98: {  	[spmem:s1] =	stream.indirect.scatter.add.f32 [tilespmem:s10], [sflag:$0x2], $0x40, s13, s3, $0xb8;
	[tilespmem:$0x1E580] =	vst v63  }
0x99: {  	_ =	swait.ge [sflag:s30], $0x2000  }
0x9a: {  	[sflag:s30] =	ssyncset.done $0x0  }
0x9b: {  	[sflag:s30] =	ssyncadd.s32 $0xFFFFE000  }
0x9c: {  	s14 =	stileid.u32  }
0x9d: {  	s14 =	sshll.u32 s14, $0x6  }
0x9e: {  	[bflag:$0x0] =	sbarrier.arrive $0xFFFF;
	s14 =	sor.u32 $0x1C02, s14  }
0x9f: {  	[hbm:s19], [sflag:s14] =	dma.local [spmem:s23], $0x1F40  }
0xa0: {  	_ =	swait.ge [sflag:s30], $0x1F40  }
0xa1: {  	[sflag:s30] =	ssyncset.done $0x0  }
0xa2: {  	[sflag:s30] =	ssyncadd.s32 $0xFFFFE0C0  }
0xa3: {  	[hbm:s20], [sflag:s14] =	dma.local @!p0 [spmem:s24], $0x1F40  }
0xa4: {  	s14 =	simm.s32 @!p0 $0x2  }
0xa5: {  	_ =	swait.ge @!p0 [sflag:s14], $0x1F40  }
0xa6: {  	s2 =	sadd.s32 $0x1, s2;
	s15 =	rddreg [dreg:$0x3]  }
0xa7: {  	p1 =	sne.s32 s2, s15  }
.Ltmp3:
0xa8: {  	_ = 	snop;
	(pc) =	sbr.rel @p1 .LBB2_1-.Ltmp3, $3  }
0xa9: {  	_ =	sdelay $0x1  }
0xaa: {  	[sflag:s14] =	ssyncset.done @!p0 $0x0  }
0xab: {  	[sflag:s14] =	ssyncadd.s32 @!p0 $0xFFFFE0C0  }
0xac: {  	_ =	sfence.sel $0x180000  }
0xad: {  	[bflag:$0x0] =	sbarrier.arrive $0xFFFF  }
0xae: {  	_ =	strace $0x9000004D  }
0xaf: {  	s0 =	stileid.u32;
	[bflag:$0x2] =	sbarrier.arrive $0xFFFF  }
0xb0: {  	p0 =	sne.s32 s0, $0x0;
	s0 =	rddreg [dreg:$0x2]  }
0xb1: {  	s0 =	sadd.s32 @!p0 $0x100000, s0  }
0xb2: {  	[sflag:s0] =	ssyncadd.tile.s32 @!p0 $0x1;
	_ =	shalt  }
.Lfunc_end2:
_tile_overlayer_lowered:
.L_overlay_start_2:
0xb3: {  	(tag) =	ssettag $0x2  }
0xb4: {  	s0 =	rddreg [dreg:$0x0];
	s2 =	stileid.u32  }
0xb5: {  	s1 =	rddreg [dreg:$0x1];
	p0 =	sne.s32 s2, $0x0  }
0xb6: {  	s3 =	rddreg [dreg:$0x2];
	[bflag:$0x3] =	sbarrier.arrive $0xFFFF;
	s2 =	simm.s32 @!p0 $0x1C02  }
0xb7: {  	[timem:s3], [sflag:s2] =	dma.local @!p0 [hbm:s0], s1  }
0xb8: {  	s0 =	simm.s32 @!p0 $0x2  }
0xb9: {  	_ =	swait.ge @!p0 [sflag:s0], s1  }
0xba: {  	s1 =	ssub.s32 @!p0 $0x0, s1;
	[sflag:s0] =	ssyncset.done @!p0 $0x0  }
0xbb: {  	[sflag:s0] =	ssyncadd.s32 @!p0 s1  }
0xbc: {  	[bflag:$0x3] =	sbarrier.arrive $0xFFFF  }
0xbd: {  	_ =	shalt  }

</sc_bundles>
